<compile_context>
chip_gen: v7x
topology: tpu7x:2x2x1
jax: 0.10.2.dev20260603
libtpu: 0.0.44.dev20260713+nightly
codegen_flags: <defaults>
</compile_context>

<pallas_src>
import functools

import jax
import jax.numpy as jnp
from jax import lax
from jax.experimental import pallas as pl
from jax.experimental.pallas import tpu as pltpu
from jax.experimental.pallas import tpu_sc as plsc

_G = 6


def _iota16():
    return lax.iota(jnp.int32, 16)


def _splat(v):
    return jnp.full((16,), v, dtype=jnp.int32)


@functools.lru_cache(maxsize=None)
def _sc_gather_fn(V, D, Btot):
    info = plsc.get_sparse_core_info()
    NW = info.num_cores * info.num_subcores
    b_per_w = Btot // NW
    n_grp = b_per_w // 16
    pad = b_per_w + 32
    max_steps = -(-b_per_w // _G)
    mesh = plsc.VectorSubcoreMesh(core_axis_name="c", subcore_axis_name="s")

    @functools.partial(
        pl.kernel,
        mesh=mesh,
        out_type=jax.ShapeDtypeStruct((Btot, D), jnp.float32),
        scratch_types=[
            pltpu.VMEM((pad,), jnp.int32),
            pltpu.VMEM((pad,), jnp.int32),
            pltpu.VMEM((pad,), jnp.int32),
            pltpu.VMEM((pad,), jnp.int32),
            pltpu.VMEM((pad,), jnp.int32),
            pltpu.VMEM((pad,), jnp.int32),
            pltpu.VMEM((2, _G // 2, D, 128), jnp.float32),
            pltpu.VMEM((b_per_w, D), jnp.float32),
            pltpu.SemaphoreType.DMA,
            pltpu.SemaphoreType.DMA,
            pltpu.SemaphoreType.DMA,
        ],
        compiler_params=pltpu.CompilerParams(needs_layout_passes=False),
    )
    def gather(table_t_hbm, idxs_hbm, pos_hbm, out_hbm,
               idx_v, pos_v, tcb_v, s_v, slabs_v, starts_v,
               buf, rows_v, sem_a, sem_b, sem_o):
        wid = lax.axis_index("s") * info.num_cores + lax.axis_index("c")
        base = wid * b_per_w
        pltpu.sync_copy(idxs_hbm.at[pl.ds(base, b_per_w)],
                        idx_v.at[pl.ds(0, b_per_w)])
        pltpu.sync_copy(pos_hbm.at[pl.ds(base, b_per_w)],
                        pos_v.at[pl.ds(0, b_per_w)])

        tcb_v[pl.ds(0, 16)] = _splat(-1)

        def pass_a(g, cnt):
            cur = lax.shift_right_logical(idx_v[pl.ds(g * 16, 16)], _splat(7))
            tcb_v[pl.ds(g * 16 + 1, 16)] = cur
            prev = tcb_v[pl.ds(g * 16, 16)]
            m = cur != prev
            s_rel = plsc.cumsum(m.astype(jnp.int32))
            s_v[pl.ds(g * 16, 16)] = _splat(cnt - 1) + s_rel
            plsc.store_compressed(slabs_v.at[pl.ds(cnt, 16)], cur, mask=m)
            plsc.store_compressed(starts_v.at[pl.ds(cnt, 16)],
                                  _splat(g * 16) + _iota16(), mask=m)
            return cnt + s_rel[15]

        n_slabs = lax.fori_loop(0, n_grp, pass_a, jnp.int32(0))
        starts_v[pl.ds(n_slabs, 16)] = _splat(b_per_w)

        GH = _G // 2

        def fire_half(s0, h, sem):
            @pl.when(s0 < n_slabs)
            def _():
                sl = slabs_v[pl.ds(s0, 16)]
                for j in range(GH):
                    @pl.when(s0 + j < n_slabs)
                    def _():
                        off = pl.multiple_of(sl[j] * 128, 128)
                        pltpu.async_copy(
                            table_t_hbm.at[:, pl.ds(off, 128)],
                            buf.at[h, j], sem,
                        )

        def wait_resolve_half(s0, h, sem):
            for j in range(GH):
                @pl.when(s0 + j < n_slabs)
                def _():
                    pltpu.make_async_copy(
                        table_t_hbm.at[:, pl.ds(0, 128)],
                        buf.at[h, j], sem,
                    ).wait()

            i_lo = starts_v[pl.ds(s0, 16)][0]
            hi = jnp.minimum(s0 + GH, n_slabs)
            i_hi = starts_v[pl.ds(hi, 16)][0]

            def resolve(i):
                slot = s_v[pl.ds(i, 16)][0] - s0
                r = idx_v[pl.ds(i, 16)][0]
                k = lax.bitwise_and(r, 127)
                p = pos_v[pl.ds(i, 16)][0]
                for c0 in range(0, D, 16):
                    vals = plsc.load_gather(
                        buf,
                        [_splat(h), _splat(slot), c0 + _iota16(), _splat(k)],
                    )
                    rows_v[i, pl.ds(c0, 16)] = vals
                pltpu.async_copy(
                    rows_v.at[pl.ds(i, 1)],
                    out_hbm.at[pl.ds(p, 1)],
                    sem_o,
                )
                return i + 1

            lax.while_loop(lambda i: i < i_hi, resolve, i_lo)

        fire_half(jnp.int32(0), 0, sem_a)
        fire_half(jnp.int32(GH), 1, sem_b)

        def step(t, carry):
            s0a = t * _G

            @pl.when(s0a < n_slabs)
            def _():
                wait_resolve_half(s0a, 0, sem_a)
                fire_half(s0a + _G, 0, sem_a)
            s0b = s0a + GH

            @pl.when(s0b < n_slabs)
            def _():
                wait_resolve_half(s0b, 1, sem_b)
                fire_half(s0b + _G, 1, sem_b)

            return carry

        lax.fori_loop(0, max_steps, step, jnp.int32(0))

        def drain(i, carry):
            pltpu.make_async_copy(
                out_hbm.at[pl.ds(0, 1)], rows_v.at[pl.ds(i, 1)], sem_o
            ).wait()
            return carry

        lax.fori_loop(0, b_per_w, drain, 0)

    return gather


def _mlp_body(e_ref, w1_ref, b1_ref, w2_ref, b2_ref, o_ref):
    e = e_ref[...]
    h = lax.dot_general(e, w1_ref[...], (((1,), (1,)), ((), ())),
                        preferred_element_type=jnp.float32)
    h = jnp.maximum(h + b1_ref[...], 0.0)
    o = lax.dot_general(w2_ref[...], h, (((1,), (1,)), ((), ())),
                        preferred_element_type=jnp.float32)
    o_ref[...] = o + b2_ref[...]


def _tc_mlp(emb, W1, b1, W2, b2):
    Btot, D = emb.shape
    BLK = 8192
    grid = (Btot // BLK,)
    return pl.pallas_call(
        _mlp_body,
        grid=grid,
        in_specs=[
            pl.BlockSpec((BLK, D), lambda i: (i, 0)),
            pl.BlockSpec((D, D), lambda i: (0, 0)),
            pl.BlockSpec((1, D), lambda i: (0, 0)),
            pl.BlockSpec((D, D), lambda i: (0, 0)),
            pl.BlockSpec((D, 1), lambda i: (0, 0)),
        ],
        out_specs=pl.BlockSpec((D, BLK), lambda i: (0, i)),
        out_shape=jax.ShapeDtypeStruct((D, Btot), jnp.float32),
    )(emb, W1, b1.reshape(1, D), W2, b2.reshape(D, 1))


def kernel(x, table, W1, b1, W2, b2):
    V, D = table.shape
    Btot = x.shape[0]
    idx = x.reshape(Btot)
    idx_sorted, pos = lax.sort_key_val(idx, lax.iota(jnp.int32, Btot))
    emb = _sc_gather_fn(V, D, Btot)(table.T, idx_sorted, pos)
    out_t = _tc_mlp(emb, W1, b1, W2, b2)
    return out_t.T.reshape(Btot, 1, D)

# --- scband reference (transcript-rebuilt; emitter-appended) ---
"""Pipeline reference for scband-class-embedding-66468913873003 (READ-ONLY COPY).

The authoritative reference and input builder live on the scoring server;
editing this copy changes nothing except your own understanding.
"""

import jax, jax.numpy as jnp
import numpy as np

B = 16384
V = 1000000
H = 64

def setup_inputs(seed: int = 0) -> dict:
    key = jax.random.key(seed)
    k1, k2, k3, k4, k5, k6 = jax.random.split(key, 6)
    x = jax.random.randint(k1, (B, 1, 1), 0, V, dtype=jnp.int32)
    table = jax.random.normal(k2, (V, H), dtype=jnp.float32) * 0.02
    W1 = jax.random.normal(k3, (H, H), dtype=jnp.float32) * (1.0 / np.sqrt(H))
    b1 = jnp.zeros((H,), dtype=jnp.float32)
    W2 = jax.random.normal(k4, (H, H), dtype=jnp.float32) * (1.0 / np.sqrt(H))
    b2 = jnp.zeros((H,), dtype=jnp.float32)
    return {"x": x, "table": table, "W1": W1, "b1": b1, "W2": W2, "b2": b2}

def reference(x, table, W1, b1, W2, b2):
    # x: [B, 1, 1] -> squeeze(1) -> [B, 1]
    xs = jnp.squeeze(x, axis=1)
    # embedding lookup: [B, 1, H]
    emb = jnp.take(table, xs, axis=0)
    # proj: Linear -> ReLU -> Linear (torch Linear: y = x @ W.T + b)
    h = jnp.maximum(emb @ W1.T + b1, 0.0)
    out = h @ W2.T + b2
    return out

if __name__ == "__main__":
    import jax
    _d = setup_inputs()
    print(jax.jit(kernel)(*tuple(_d.values())))

</pallas_src>

<mosaic_0001>
#map = affine_map<(d0, d1) -> (0, 0)>
#map1 = affine_map<(d0, d1) -> (0)>
module attributes {stable_mosaic.version = 14 : i64} {
  func.func @gather(%arg0: i32, %arg1: i32, %arg2: memref<64x1000000xf32, #tpu.memory_space<hbm>>, %arg3: memref<16384xi32, #tpu.memory_space<hbm>>, %arg4: memref<16384xi32, #tpu.memory_space<hbm>>, %arg5: memref<16384x64xf32, #tpu.memory_space<hbm>>, %arg6: memref<544xi32, #tpu.memory_space<vmem>>, %arg7: memref<544xi32, #tpu.memory_space<vmem>>, %arg8: memref<544xi32, #tpu.memory_space<vmem>>, %arg9: memref<544xi32, #tpu.memory_space<vmem>>, %arg10: memref<544xi32, #tpu.memory_space<vmem>>, %arg11: memref<544xi32, #tpu.memory_space<vmem>>, %arg12: memref<2x3x64x128xf32, #tpu.memory_space<vmem>>, %arg13: memref<512x64xf32, #tpu.memory_space<vmem>>, %arg14: memref<!tpu.dma_semaphore, #tpu.memory_space<semaphore_mem>>, %arg15: memref<!tpu.dma_semaphore, #tpu.memory_space<semaphore_mem>>, %arg16: memref<!tpu.dma_semaphore, #tpu.memory_space<semaphore_mem>>) attributes {dimension_semantics = [#tpu.dimension_semantics<core_parallel>, #tpu.dimension_semantics<subcore_parallel>], iteration_bounds = array<i64: 2, 16>, scalar_prefetch = 0 : i64, scratch_operands = 11 : i64, tpu.core_type = #tpu.core_type<sc_vector_subcore>, window_params = [{transform_indices = #map}, {transform_indices = #map1}, {transform_indices = #map1}, {transform_indices = #map}]} {
    %mul3A = arith.constant 2 : i32
    %mul3A_0 = arith.muli %arg1, %mul3A : i32
    %add3A = arith.addi %mul3A_0, %arg0 : i32
    %mul3A_1 = arith.constant 512 : i32
    %mul3A_2 = arith.muli %add3A, %mul3A_1 : i32
    "tpu.region"() ({
      %run_scoped3A = tpu.sem_alloc : memref<!tpu.dma_semaphore, #tpu.memory_space<semaphore_mem>>
      %dma_start3A = arith.constant 0 : i32
      %dma_start3A_36 = tpu.memref_slice %arg6[%dma_start3A] : memref<544xi32, #tpu.memory_space<vmem>> -> memref<512xi32, #tpu.memory_space<vmem>>
      %dma_start3A_37 = tpu.memref_slice %arg3[%mul3A_2] : memref<16384xi32, #tpu.memory_space<hbm>> -> memref<512xi32, #tpu.memory_space<hbm>>
      %dma_start3A_38 = arith.constant 0 : i32
      %dma_start3A_39 = tpu.memref_slice %arg6[%dma_start3A_38] : memref<544xi32, #tpu.memory_space<vmem>> -> memref<512xi32, #tpu.memory_space<vmem>>
      %dma_start3A_40 = tpu.memref_slice %arg3[%mul3A_2] : memref<16384xi32, #tpu.memory_space<hbm>> -> memref<512xi32, #tpu.memory_space<hbm>>
      tpu.enqueue_dma source(%dma_start3A_40 : memref<512xi32, #tpu.memory_space<hbm>>) target(%dma_start3A_39 : memref<512xi32, #tpu.memory_space<vmem>>) target_semaphore(%run_scoped3A : memref<!tpu.dma_semaphore, #tpu.memory_space<semaphore_mem>>)
      %dma_wait3A = arith.constant 0 : i32
      %dma_wait3A_41 = tpu.memref_slice %arg6[%dma_wait3A] : memref<544xi32, #tpu.memory_space<vmem>> -> memref<512xi32, #tpu.memory_space<vmem>>
      %dma_wait3A_42 = tpu.memref_slice %arg3[%mul3A_2] : memref<16384xi32, #tpu.memory_space<hbm>> -> memref<512xi32, #tpu.memory_space<hbm>>
      %dma_wait3A_43 = arith.constant 0 : i32
      %dma_wait3A_44 = tpu.memref_slice %arg6[%dma_wait3A_43] : memref<544xi32, #tpu.memory_space<vmem>> -> memref<512xi32, #tpu.memory_space<vmem>>
      %dma_wait3A_45 = tpu.memref_slice %arg3[%mul3A_2] : memref<16384xi32, #tpu.memory_space<hbm>> -> memref<512xi32, #tpu.memory_space<hbm>>
      tpu.wait_dma2 semaphore(%run_scoped3A : memref<!tpu.dma_semaphore, #tpu.memory_space<semaphore_mem>>) src(%dma_wait3A_45 : memref<512xi32, #tpu.memory_space<hbm>>) dst(%dma_wait3A_44 : memref<512xi32, #tpu.memory_space<vmem>>)
      tpu.yield
    }) : () -> ()
    "tpu.region"() ({
      %run_scoped3A = tpu.sem_alloc : memref<!tpu.dma_semaphore, #tpu.memory_space<semaphore_mem>>
      %dma_start3A = arith.constant 0 : i32
      %dma_start3A_36 = tpu.memref_slice %arg7[%dma_start3A] : memref<544xi32, #tpu.memory_space<vmem>> -> memref<512xi32, #tpu.memory_space<vmem>>
      %dma_start3A_37 = tpu.memref_slice %arg4[%mul3A_2] : memref<16384xi32, #tpu.memory_space<hbm>> -> memref<512xi32, #tpu.memory_space<hbm>>
      %dma_start3A_38 = arith.constant 0 : i32
      %dma_start3A_39 = tpu.memref_slice %arg7[%dma_start3A_38] : memref<544xi32, #tpu.memory_space<vmem>> -> memref<512xi32, #tpu.memory_space<vmem>>
      %dma_start3A_40 = tpu.memref_slice %arg4[%mul3A_2] : memref<16384xi32, #tpu.memory_space<hbm>> -> memref<512xi32, #tpu.memory_space<hbm>>
      tpu.enqueue_dma source(%dma_start3A_40 : memref<512xi32, #tpu.memory_space<hbm>>) target(%dma_start3A_39 : memref<512xi32, #tpu.memory_space<vmem>>) target_semaphore(%run_scoped3A : memref<!tpu.dma_semaphore, #tpu.memory_space<semaphore_mem>>)
      %dma_wait3A = arith.constant 0 : i32
      %dma_wait3A_41 = tpu.memref_slice %arg7[%dma_wait3A] : memref<544xi32, #tpu.memory_space<vmem>> -> memref<512xi32, #tpu.memory_space<vmem>>
      %dma_wait3A_42 = tpu.memref_slice %arg4[%mul3A_2] : memref<16384xi32, #tpu.memory_space<hbm>> -> memref<512xi32, #tpu.memory_space<hbm>>
      %dma_wait3A_43 = arith.constant 0 : i32
      %dma_wait3A_44 = tpu.memref_slice %arg7[%dma_wait3A_43] : memref<544xi32, #tpu.memory_space<vmem>> -> memref<512xi32, #tpu.memory_space<vmem>>
      %dma_wait3A_45 = tpu.memref_slice %arg4[%mul3A_2] : memref<16384xi32, #tpu.memory_space<hbm>> -> memref<512xi32, #tpu.memory_space<hbm>>
      tpu.wait_dma2 semaphore(%run_scoped3A : memref<!tpu.dma_semaphore, #tpu.memory_space<semaphore_mem>>) src(%dma_wait3A_45 : memref<512xi32, #tpu.memory_space<hbm>>) dst(%dma_wait3A_44 : memref<512xi32, #tpu.memory_space<vmem>>)
      tpu.yield
    }) : () -> ()
    %broadcast_in_dim3A = arith.constant -1 : i32
    %broadcast_in_dim3A_3 = vector.broadcast %broadcast_in_dim3A : i32 to vector<16xi32>
    %swap3A = arith.constant 0 : index
    %swap3A_4 = tpu.vector_load %arg8[%swap3A] {strides = array<i32>} : memref<544xi32, #tpu.memory_space<vmem>>, vector<16xi32>,
    tpu.vector_store %arg8[%swap3A], %broadcast_in_dim3A_3 {strides = array<i32>} : memref<544xi32, #tpu.memory_space<vmem>>, vector<16xi32>,
    %scan3A = arith.constant 0 : i32
    %scan3A_5 = arith.constant 0 : i32
    %scan3A_6 = arith.constant 32 : i32
    %scan3A_7 = arith.addi %scan3A_5, %scan3A_6 : i32
    %scan3A_8 = arith.constant 1 : i32
    %scan3A_9 = scf.for %scan3A_36 = %scan3A_5 to %scan3A_7 step %scan3A_8 iter_args(%scan3A_37 = %scan3A) -> (i32)  : i32 {
      %mul3A_38 = arith.constant 16 : i32
      %mul3A_39 = arith.muli %scan3A_36, %mul3A_38 : i32
      %get3A = arith.index_cast %mul3A_39 : i32 to index
      %get3A_40 = tpu.vector_load %arg6[%get3A] {strides = array<i32>} : memref<544xi32, #tpu.memory_space<vmem>>, vector<16xi32>,
      %broadcast_in_dim3A_41 = arith.constant 7 : i32
      %broadcast_in_dim3A_42 = vector.broadcast %broadcast_in_dim3A_41 : i32 to vector<16xi32>
      %shift_right_logical3A = arith.shrui %get3A_40, %broadcast_in_dim3A_42 : vector<16xi32>
      %mul3A_43 = arith.constant 16 : i32
      %mul3A_44 = arith.muli %scan3A_36, %mul3A_43 : i32
      %add3A_45 = arith.constant 1 : i32
      %add3A_46 = arith.addi %mul3A_44, %add3A_45 : i32
      %swap3A_47 = arith.index_cast %add3A_46 : i32 to index
      %swap3A_48 = tpu.vector_load %arg8[%swap3A_47] {strides = array<i32>} : memref<544xi32, #tpu.memory_space<vmem>>, vector<16xi32>,
      tpu.vector_store %arg8[%swap3A_47], %shift_right_logical3A {strides = array<i32>} : memref<544xi32, #tpu.memory_space<vmem>>, vector<16xi32>,
      %mul3A_49 = arith.constant 16 : i32
      %mul3A_50 = arith.muli %scan3A_36, %mul3A_49 : i32
      %get3A_51 = arith.index_cast %mul3A_50 : i32 to index
      %get3A_52 = tpu.vector_load %arg8[%get3A_51] {strides = array<i32>} : memref<544xi32, #tpu.memory_space<vmem>>, vector<16xi32>,
      %ne3A = arith.cmpi ne, %shift_right_logical3A, %get3A_52 : vector<16xi32>
      %convert_element_type3A_53 = arith.extui %ne3A : vector<16xi1> to vector<16xi32>
      %broadcast_in_dim3A_54 = arith.constant true
      %broadcast_in_dim3A_55 = vector.broadcast %broadcast_in_dim3A_54 : i1 to vector<16xi1>
      %masked_cumsum3A = tpu.scan <sum>, %convert_element_type3A_53 masked %broadcast_in_dim3A_55 : vector<16xi32>, vector<16xi1> -> vector<16xi32>
      %sub3A = arith.constant 1 : i32
      %sub3A_56 = arith.subi %scan3A_37, %sub3A : i32
      %broadcast_in_dim3A_57 = vector.broadcast %sub3A_56 : i32 to vector<16xi32>
      %add3A_58 = arith.addi %broadcast_in_dim3A_57, %masked_cumsum3A : vector<16xi32>
      %mul3A_59 = arith.constant 16 : i32
      %mul3A_60 = arith.muli %scan3A_36, %mul3A_59 : i32
      %swap3A_61 = arith.index_cast %mul3A_60 : i32 to index
      %swap3A_62 = tpu.vector_load %arg9[%swap3A_61] {strides = array<i32>} : memref<544xi32, #tpu.memory_space<vmem>>, vector<16xi32>,
      tpu.vector_store %arg9[%swap3A_61], %add3A_58 {strides = array<i32>} : memref<544xi32, #tpu.memory_space<vmem>>, vector<16xi32>,
      %swap3A_63 = arith.index_cast %scan3A_37 : i32 to index
      %swap3A_64 = tpu.vector_load %arg10[%swap3A_63] masked %ne3A {strides = array<i32>} : memref<544xi32, #tpu.memory_space<vmem>>, vector<16xi32>, vector<16xi1>
      tpu.vector_store %arg10[%swap3A_63], %shift_right_logical3A masked %ne3A {strides = array<i32>} : memref<544xi32, #tpu.memory_space<vmem>>, vector<16xi32>, vector<16xi1>
      %mul3A_65 = arith.constant 16 : i32
      %mul3A_66 = arith.muli %scan3A_36, %mul3A_65 : i32
      %broadcast_in_dim3A_67 = vector.broadcast %mul3A_66 : i32 to vector<16xi32>
      %iota3A = tpu.iota {dimensions = array<i32: 0>} : vector<16xi32>
      %add3A_68 = arith.addi %broadcast_in_dim3A_67, %iota3A : vector<16xi32>
      %swap3A_69 = arith.index_cast %scan3A_37 : i32 to index
      %swap3A_70 = tpu.vector_load %arg11[%swap3A_69] masked %ne3A {strides = array<i32>} : memref<544xi32, #tpu.memory_space<vmem>>, vector<16xi32>, vector<16xi1>
      tpu.vector_store %arg11[%swap3A_69], %add3A_68 masked %ne3A {strides = array<i32>} : memref<544xi32, #tpu.memory_space<vmem>>, vector<16xi32>, vector<16xi1>
      %slice3A = vector.extract_strided_slice %masked_cumsum3A {offsets = [15], sizes = [1], strides = [1]} : vector<16xi32> to vector<1xi32>
      %squeeze3A = vector.extract %slice3A[0] : i32 from vector<1xi32>
      %add3A_71 = arith.addi %scan3A_37, %squeeze3A : i32
      scf.yield %add3A_71 : i32
    }
    %scan3A_10 = arith.constant 32 : i32
    %broadcast_in_dim3A_11 = arith.constant 512 : i32
    %broadcast_in_dim3A_12 = vector.broadcast %broadcast_in_dim3A_11 : i32 to vector<16xi32>
    %swap3A_13 = arith.index_cast %scan3A_9 : i32 to index
    %swap3A_14 = tpu.vector_load %arg11[%swap3A_13] {strides = array<i32>} : memref<544xi32, #tpu.memory_space<vmem>>, vector<16xi32>,
    tpu.vector_store %arg11[%swap3A_13], %broadcast_in_dim3A_12 {strides = array<i32>} : memref<544xi32, #tpu.memory_space<vmem>>, vector<16xi32>,
    %lt3A = arith.constant 0 : i32
    %lt3A_15 = arith.cmpi slt, %lt3A, %scan3A_9 : i32
    %convert_element_type3A = arith.extui %lt3A_15 : i1 to i32
    %cond3A = arith.constant 0 : i32
    %cond3A_16 = arith.constant 0 : i32
    %cond3A_17 = arith.cmpi ne, %convert_element_type3A, %cond3A_16 : i32
    scf.if %cond3A_17 {
      %get3A = arith.index_cast %cond3A : i32 to index
      %get3A_36 = tpu.vector_load %arg10[%get3A] {strides = array<i32>} : memref<544xi32, #tpu.memory_space<vmem>>, vector<16xi32>,
      %add3A_37 = arith.constant 0 : i32
      %add3A_38 = arith.addi %cond3A, %add3A_37 : i32
      %lt3A_39 = arith.cmpi slt, %add3A_38, %scan3A_9 : i32
      %convert_element_type3A_40 = arith.extui %lt3A_39 : i1 to i32
      %cond3A_41 = arith.constant 0 : i32
      %cond3A_42 = arith.cmpi ne, %convert_element_type3A_40, %cond3A_41 : i32
      scf.if %cond3A_42 {
        %slice3A = vector.extract_strided_slice %get3A_36 {offsets = [0], sizes = [1], strides = [1]} : vector<16xi32> to vector<1xi32>
        %squeeze3A = vector.extract %slice3A[0] : i32 from vector<1xi32>
        %mul3A_55 = arith.constant 128 : i32
        %mul3A_56 = arith.muli %squeeze3A, %mul3A_55 : i32
        %multiple_of3A = tpu.assume_multiple %mul3A_56, 128 : i32
        %dma_start3A = arith.constant 0 : i32
        %dma_start3A_57 = arith.constant 0 : i32
        %dma_start3A_58 = arith.constant 0 : i32
        %dma_start3A_59 = arith.constant 0 : i32
        %dma_start3A_60 = tpu.memref_slice %arg12[%dma_start3A, %dma_start3A_57, %dma_start3A_58, %dma_start3A_59] : memref<2x3x64x128xf32, #tpu.memory_space<vmem>> -> memref<1x1x64x128xf32, #tpu.memory_space<vmem>>
        %dma_start3A_61 = tpu.memref_squeeze %dma_start3A_60 : memref<1x1x64x128xf32, #tpu.memory_space<vmem>> -> memref<64x128xf32, #tpu.memory_space<vmem>>
        %dma_start3A_62 = arith.constant 0 : i32
        %dma_start3A_63 = tpu.memref_slice %arg2[%dma_start3A_62, %multiple_of3A] : memref<64x1000000xf32, #tpu.memory_space<hbm>> -> memref<64x128xf32, #tpu.memory_space<hbm>>
        %dma_start3A_64 = arith.constant 0 : i32
        %dma_start3A_65 = arith.constant 0 : i32
        %dma_start3A_66 = tpu.memref_slice %arg12[%dma_start3A, %dma_start3A_57, %dma_start3A_64, %dma_start3A_65] : memref<2x3x64x128xf32, #tpu.memory_space<vmem>> -> memref<1x1x64x128xf32, #tpu.memory_space<vmem>>
        %dma_start3A_67 = tpu.memref_squeeze %dma_start3A_66 : memref<1x1x64x128xf32, #tpu.memory_space<vmem>> -> memref<64x128xf32, #tpu.memory_space<vmem>>
        %dma_start3A_68 = arith.constant 0 : i32
        %dma_start3A_69 = tpu.memref_slice %arg2[%dma_start3A_68, %multiple_of3A] : memref<64x1000000xf32, #tpu.memory_space<hbm>> -> memref<64x128xf32, #tpu.memory_space<hbm>>
        tpu.enqueue_dma source(%dma_start3A_69 : memref<64x128xf32, #tpu.memory_space<hbm>>) target(%dma_start3A_67 : memref<64x128xf32, #tpu.memory_space<vmem>>) target_semaphore(%arg14 : memref<!tpu.dma_semaphore, #tpu.memory_space<semaphore_mem>>)
      } else {
      }
      %add3A_43 = arith.constant 1 : i32
      %add3A_44 = arith.addi %cond3A, %add3A_43 : i32
      %lt3A_45 = arith.cmpi slt, %add3A_44, %scan3A_9 : i32
      %convert_element_type3A_46 = arith.extui %lt3A_45 : i1 to i32
      %cond3A_47 = arith.constant 0 : i32
      %cond3A_48 = arith.cmpi ne, %convert_element_type3A_46, %cond3A_47 : i32
      scf.if %cond3A_48 {
        %slice3A = vector.extract_strided_slice %get3A_36 {offsets = [1], sizes = [1], strides = [1]} : vector<16xi32> to vector<1xi32>
        %squeeze3A = vector.extract %slice3A[0] : i32 from vector<1xi32>
        %mul3A_55 = arith.constant 128 : i32
        %mul3A_56 = arith.muli %squeeze3A, %mul3A_55 : i32
        %multiple_of3A = tpu.assume_multiple %mul3A_56, 128 : i32
        %dma_start3A = arith.constant 0 : i32
        %dma_start3A_57 = arith.constant 1 : i32
        %dma_start3A_58 = arith.constant 0 : i32
        %dma_start3A_59 = arith.constant 0 : i32
        %dma_start3A_60 = tpu.memref_slice %arg12[%dma_start3A, %dma_start3A_57, %dma_start3A_58, %dma_start3A_59] : memref<2x3x64x128xf32, #tpu.memory_space<vmem>> -> memref<1x1x64x128xf32, #tpu.memory_space<vmem>>
        %dma_start3A_61 = tpu.memref_squeeze %dma_start3A_60 : memref<1x1x64x128xf32, #tpu.memory_space<vmem>> -> memref<64x128xf32, #tpu.memory_space<vmem>>
        %dma_start3A_62 = arith.constant 0 : i32
        %dma_start3A_63 = tpu.memref_slice %arg2[%dma_start3A_62, %multiple_of3A] : memref<64x1000000xf32, #tpu.memory_space<hbm>> -> memref<64x128xf32, #tpu.memory_space<hbm>>
        %dma_start3A_64 = arith.constant 0 : i32
        %dma_start3A_65 = arith.constant 0 : i32
        %dma_start3A_66 = tpu.memref_slice %arg12[%dma_start3A, %dma_start3A_57, %dma_start3A_64, %dma_start3A_65] : memref<2x3x64x128xf32, #tpu.memory_space<vmem>> -> memref<1x1x64x128xf32, #tpu.memory_space<vmem>>
        %dma_start3A_67 = tpu.memref_squeeze %dma_start3A_66 : memref<1x1x64x128xf32, #tpu.memory_space<vmem>> -> memref<64x128xf32, #tpu.memory_space<vmem>>
        %dma_start3A_68 = arith.constant 0 : i32
        %dma_start3A_69 = tpu.memref_slice %arg2[%dma_start3A_68, %multiple_of3A] : memref<64x1000000xf32, #tpu.memory_space<hbm>> -> memref<64x128xf32, #tpu.memory_space<hbm>>
        tpu.enqueue_dma source(%dma_start3A_69 : memref<64x128xf32, #tpu.memory_space<hbm>>) target(%dma_start3A_67 : memref<64x128xf32, #tpu.memory_space<vmem>>) target_semaphore(%arg14 : memref<!tpu.dma_semaphore, #tpu.memory_space<semaphore_mem>>)
      } else {
      }
      %add3A_49 = arith.constant 2 : i32
      %add3A_50 = arith.addi %cond3A, %add3A_49 : i32
      %lt3A_51 = arith.cmpi slt, %add3A_50, %scan3A_9 : i32
      %convert_element_type3A_52 = arith.extui %lt3A_51 : i1 to i32
      %cond3A_53 = arith.constant 0 : i32
      %cond3A_54 = arith.cmpi ne, %convert_element_type3A_52, %cond3A_53 : i32
      scf.if %cond3A_54 {
        %slice3A = vector.extract_strided_slice %get3A_36 {offsets = [2], sizes = [1], strides = [1]} : vector<16xi32> to vector<1xi32>
        %squeeze3A = vector.extract %slice3A[0] : i32 from vector<1xi32>
        %mul3A_55 = arith.constant 128 : i32
        %mul3A_56 = arith.muli %squeeze3A, %mul3A_55 : i32
        %multiple_of3A = tpu.assume_multiple %mul3A_56, 128 : i32
        %dma_start3A = arith.constant 0 : i32
        %dma_start3A_57 = arith.constant 2 : i32
        %dma_start3A_58 = arith.constant 0 : i32
        %dma_start3A_59 = arith.constant 0 : i32
        %dma_start3A_60 = tpu.memref_slice %arg12[%dma_start3A, %dma_start3A_57, %dma_start3A_58, %dma_start3A_59] : memref<2x3x64x128xf32, #tpu.memory_space<vmem>> -> memref<1x1x64x128xf32, #tpu.memory_space<vmem>>
        %dma_start3A_61 = tpu.memref_squeeze %dma_start3A_60 : memref<1x1x64x128xf32, #tpu.memory_space<vmem>> -> memref<64x128xf32, #tpu.memory_space<vmem>>
        %dma_start3A_62 = arith.constant 0 : i32
        %dma_start3A_63 = tpu.memref_slice %arg2[%dma_start3A_62, %multiple_of3A] : memref<64x1000000xf32, #tpu.memory_space<hbm>> -> memref<64x128xf32, #tpu.memory_space<hbm>>
        %dma_start3A_64 = arith.constant 0 : i32
        %dma_start3A_65 = arith.constant 0 : i32
        %dma_start3A_66 = tpu.memref_slice %arg12[%dma_start3A, %dma_start3A_57, %dma_start3A_64, %dma_start3A_65] : memref<2x3x64x128xf32, #tpu.memory_space<vmem>> -> memref<1x1x64x128xf32, #tpu.memory_space<vmem>>
        %dma_start3A_67 = tpu.memref_squeeze %dma_start3A_66 : memref<1x1x64x128xf32, #tpu.memory_space<vmem>> -> memref<64x128xf32, #tpu.memory_space<vmem>>
        %dma_start3A_68 = arith.constant 0 : i32
        %dma_start3A_69 = tpu.memref_slice %arg2[%dma_start3A_68, %multiple_of3A] : memref<64x1000000xf32, #tpu.memory_space<hbm>> -> memref<64x128xf32, #tpu.memory_space<hbm>>
        tpu.enqueue_dma source(%dma_start3A_69 : memref<64x128xf32, #tpu.memory_space<hbm>>) target(%dma_start3A_67 : memref<64x128xf32, #tpu.memory_space<vmem>>) target_semaphore(%arg14 : memref<!tpu.dma_semaphore, #tpu.memory_space<semaphore_mem>>)
      } else {
      }
    } else {
    }
    %lt3A_18 = arith.constant 3 : i32
    %lt3A_19 = arith.cmpi slt, %lt3A_18, %scan3A_9 : i32
    %convert_element_type3A_20 = arith.extui %lt3A_19 : i1 to i32
    %cond3A_21 = arith.constant 3 : i32
    %cond3A_22 = arith.constant 0 : i32
    %cond3A_23 = arith.cmpi ne, %convert_element_type3A_20, %cond3A_22 : i32
    scf.if %cond3A_23 {
      %get3A = arith.index_cast %cond3A_21 : i32 to index
      %get3A_36 = tpu.vector_load %arg10[%get3A] {strides = array<i32>} : memref<544xi32, #tpu.memory_space<vmem>>, vector<16xi32>,
      %add3A_37 = arith.constant 0 : i32
      %add3A_38 = arith.addi %cond3A_21, %add3A_37 : i32
      %lt3A_39 = arith.cmpi slt, %add3A_38, %scan3A_9 : i32
      %convert_element_type3A_40 = arith.extui %lt3A_39 : i1 to i32
      %cond3A_41 = arith.constant 0 : i32
      %cond3A_42 = arith.cmpi ne, %convert_element_type3A_40, %cond3A_41 : i32
      scf.if %cond3A_42 {
        %slice3A = vector.extract_strided_slice %get3A_36 {offsets = [0], sizes = [1], strides = [1]} : vector<16xi32> to vector<1xi32>
        %squeeze3A = vector.extract %slice3A[0] : i32 from vector<1xi32>
        %mul3A_55 = arith.constant 128 : i32
        %mul3A_56 = arith.muli %squeeze3A, %mul3A_55 : i32
        %multiple_of3A = tpu.assume_multiple %mul3A_56, 128 : i32
        %dma_start3A = arith.constant 1 : i32
        %dma_start3A_57 = arith.constant 0 : i32
        %dma_start3A_58 = arith.constant 0 : i32
        %dma_start3A_59 = arith.constant 0 : i32
        %dma_start3A_60 = tpu.memref_slice %arg12[%dma_start3A, %dma_start3A_57, %dma_start3A_58, %dma_start3A_59] : memref<2x3x64x128xf32, #tpu.memory_space<vmem>> -> memref<1x1x64x128xf32, #tpu.memory_space<vmem>>
        %dma_start3A_61 = tpu.memref_squeeze %dma_start3A_60 : memref<1x1x64x128xf32, #tpu.memory_space<vmem>> -> memref<64x128xf32, #tpu.memory_space<vmem>>
        %dma_start3A_62 = arith.constant 0 : i32
        %dma_start3A_63 = tpu.memref_slice %arg2[%dma_start3A_62, %multiple_of3A] : memref<64x1000000xf32, #tpu.memory_space<hbm>> -> memref<64x128xf32, #tpu.memory_space<hbm>>
        %dma_start3A_64 = arith.constant 0 : i32
        %dma_start3A_65 = arith.constant 0 : i32
        %dma_start3A_66 = tpu.memref_slice %arg12[%dma_start3A, %dma_start3A_57, %dma_start3A_64, %dma_start3A_65] : memref<2x3x64x128xf32, #tpu.memory_space<vmem>> -> memref<1x1x64x128xf32, #tpu.memory_space<vmem>>
        %dma_start3A_67 = tpu.memref_squeeze %dma_start3A_66 : memref<1x1x64x128xf32, #tpu.memory_space<vmem>> -> memref<64x128xf32, #tpu.memory_space<vmem>>
        %dma_start3A_68 = arith.constant 0 : i32
        %dma_start3A_69 = tpu.memref_slice %arg2[%dma_start3A_68, %multiple_of3A] : memref<64x1000000xf32, #tpu.memory_space<hbm>> -> memref<64x128xf32, #tpu.memory_space<hbm>>
        tpu.enqueue_dma source(%dma_start3A_69 : memref<64x128xf32, #tpu.memory_space<hbm>>) target(%dma_start3A_67 : memref<64x128xf32, #tpu.memory_space<vmem>>) target_semaphore(%arg15 : memref<!tpu.dma_semaphore, #tpu.memory_space<semaphore_mem>>)
      } else {
      }
      %add3A_43 = arith.constant 1 : i32
      %add3A_44 = arith.addi %cond3A_21, %add3A_43 : i32
      %lt3A_45 = arith.cmpi slt, %add3A_44, %scan3A_9 : i32
      %convert_element_type3A_46 = arith.extui %lt3A_45 : i1 to i32
      %cond3A_47 = arith.constant 0 : i32
      %cond3A_48 = arith.cmpi ne, %convert_element_type3A_46, %cond3A_47 : i32
      scf.if %cond3A_48 {
        %slice3A = vector.extract_strided_slice %get3A_36 {offsets = [1], sizes = [1], strides = [1]} : vector<16xi32> to vector<1xi32>
        %squeeze3A = vector.extract %slice3A[0] : i32 from vector<1xi32>
        %mul3A_55 = arith.constant 128 : i32
        %mul3A_56 = arith.muli %squeeze3A, %mul3A_55 : i32
        %multiple_of3A = tpu.assume_multiple %mul3A_56, 128 : i32
        %dma_start3A = arith.constant 1 : i32
        %dma_start3A_57 = arith.constant 1 : i32
        %dma_start3A_58 = arith.constant 0 : i32
        %dma_start3A_59 = arith.constant 0 : i32
        %dma_start3A_60 = tpu.memref_slice %arg12[%dma_start3A, %dma_start3A_57, %dma_start3A_58, %dma_start3A_59] : memref<2x3x64x128xf32, #tpu.memory_space<vmem>> -> memref<1x1x64x128xf32, #tpu.memory_space<vmem>>
        %dma_start3A_61 = tpu.memref_squeeze %dma_start3A_60 : memref<1x1x64x128xf32, #tpu.memory_space<vmem>> -> memref<64x128xf32, #tpu.memory_space<vmem>>
        %dma_start3A_62 = arith.constant 0 : i32
        %dma_start3A_63 = tpu.memref_slice %arg2[%dma_start3A_62, %multiple_of3A] : memref<64x1000000xf32, #tpu.memory_space<hbm>> -> memref<64x128xf32, #tpu.memory_space<hbm>>
        %dma_start3A_64 = arith.constant 0 : i32
        %dma_start3A_65 = arith.constant 0 : i32
        %dma_start3A_66 = tpu.memref_slice %arg12[%dma_start3A, %dma_start3A_57, %dma_start3A_64, %dma_start3A_65] : memref<2x3x64x128xf32, #tpu.memory_space<vmem>> -> memref<1x1x64x128xf32, #tpu.memory_space<vmem>>
        %dma_start3A_67 = tpu.memref_squeeze %dma_start3A_66 : memref<1x1x64x128xf32, #tpu.memory_space<vmem>> -> memref<64x128xf32, #tpu.memory_space<vmem>>
        %dma_start3A_68 = arith.constant 0 : i32
        %dma_start3A_69 = tpu.memref_slice %arg2[%dma_start3A_68, %multiple_of3A] : memref<64x1000000xf32, #tpu.memory_space<hbm>> -> memref<64x128xf32, #tpu.memory_space<hbm>>
        tpu.enqueue_dma source(%dma_start3A_69 : memref<64x128xf32, #tpu.memory_space<hbm>>) target(%dma_start3A_67 : memref<64x128xf32, #tpu.memory_space<vmem>>) target_semaphore(%arg15 : memref<!tpu.dma_semaphore, #tpu.memory_space<semaphore_mem>>)
      } else {
      }
      %add3A_49 = arith.constant 2 : i32
      %add3A_50 = arith.addi %cond3A_21, %add3A_49 : i32
      %lt3A_51 = arith.cmpi slt, %add3A_50, %scan3A_9 : i32
      %convert_element_type3A_52 = arith.extui %lt3A_51 : i1 to i32
      %cond3A_53 = arith.constant 0 : i32
      %cond3A_54 = arith.cmpi ne, %convert_element_type3A_52, %cond3A_53 : i32
      scf.if %cond3A_54 {
        %slice3A = vector.extract_strided_slice %get3A_36 {offsets = [2], sizes = [1], strides = [1]} : vector<16xi32> to vector<1xi32>
        %squeeze3A = vector.extract %slice3A[0] : i32 from vector<1xi32>
        %mul3A_55 = arith.constant 128 : i32
        %mul3A_56 = arith.muli %squeeze3A, %mul3A_55 : i32
        %multiple_of3A = tpu.assume_multiple %mul3A_56, 128 : i32
        %dma_start3A = arith.constant 1 : i32
        %dma_start3A_57 = arith.constant 2 : i32
        %dma_start3A_58 = arith.constant 0 : i32
        %dma_start3A_59 = arith.constant 0 : i32
        %dma_start3A_60 = tpu.memref_slice %arg12[%dma_start3A, %dma_start3A_57, %dma_start3A_58, %dma_start3A_59] : memref<2x3x64x128xf32, #tpu.memory_space<vmem>> -> memref<1x1x64x128xf32, #tpu.memory_space<vmem>>
        %dma_start3A_61 = tpu.memref_squeeze %dma_start3A_60 : memref<1x1x64x128xf32, #tpu.memory_space<vmem>> -> memref<64x128xf32, #tpu.memory_space<vmem>>
        %dma_start3A_62 = arith.constant 0 : i32
        %dma_start3A_63 = tpu.memref_slice %arg2[%dma_start3A_62, %multiple_of3A] : memref<64x1000000xf32, #tpu.memory_space<hbm>> -> memref<64x128xf32, #tpu.memory_space<hbm>>
        %dma_start3A_64 = arith.constant 0 : i32
        %dma_start3A_65 = arith.constant 0 : i32
        %dma_start3A_66 = tpu.memref_slice %arg12[%dma_start3A, %dma_start3A_57, %dma_start3A_64, %dma_start3A_65] : memref<2x3x64x128xf32, #tpu.memory_space<vmem>> -> memref<1x1x64x128xf32, #tpu.memory_space<vmem>>
        %dma_start3A_67 = tpu.memref_squeeze %dma_start3A_66 : memref<1x1x64x128xf32, #tpu.memory_space<vmem>> -> memref<64x128xf32, #tpu.memory_space<vmem>>
        %dma_start3A_68 = arith.constant 0 : i32
        %dma_start3A_69 = tpu.memref_slice %arg2[%dma_start3A_68, %multiple_of3A] : memref<64x1000000xf32, #tpu.memory_space<hbm>> -> memref<64x128xf32, #tpu.memory_space<hbm>>
        tpu.enqueue_dma source(%dma_start3A_69 : memref<64x128xf32, #tpu.memory_space<hbm>>) target(%dma_start3A_67 : memref<64x128xf32, #tpu.memory_space<vmem>>) target_semaphore(%arg15 : memref<!tpu.dma_semaphore, #tpu.memory_space<semaphore_mem>>)
      } else {
      }
    } else {
    }
    %scan3A_24 = arith.constant 0 : i32
    %scan3A_25 = arith.constant 0 : i32
    %scan3A_26 = arith.constant 86 : i32
    %scan3A_27 = arith.addi %scan3A_25, %scan3A_26 : i32
    %scan3A_28 = arith.constant 1 : i32
    scf.for %scan3A_36 = %scan3A_25 to %scan3A_27 step %scan3A_28  : i32 {
      %mul3A_37 = arith.constant 6 : i32
      %mul3A_38 = arith.muli %scan3A_36, %mul3A_37 : i32
      %lt3A_39 = arith.cmpi slt, %mul3A_38, %scan3A_9 : i32
      %convert_element_type3A_40 = arith.extui %lt3A_39 : i1 to i32
      %cond3A_41 = arith.constant 0 : i32
      %cond3A_42 = arith.cmpi ne, %convert_element_type3A_40, %cond3A_41 : i32
      scf.if %cond3A_42 {
        %add3A_49 = arith.constant 0 : i32
        %add3A_50 = arith.addi %mul3A_38, %add3A_49 : i32
        %lt3A_51 = arith.cmpi slt, %add3A_50, %scan3A_9 : i32
        %convert_element_type3A_52 = arith.extui %lt3A_51 : i1 to i32
        %cond3A_53 = arith.constant 0 : i32
        %cond3A_54 = arith.cmpi ne, %convert_element_type3A_52, %cond3A_53 : i32
        scf.if %cond3A_54 {
          %dma_wait3A = arith.constant 0 : i32
          %dma_wait3A_80 = arith.constant 0 : i32
          %dma_wait3A_81 = arith.constant 0 : i32
          %dma_wait3A_82 = arith.constant 0 : i32
          %dma_wait3A_83 = tpu.memref_slice %arg12[%dma_wait3A, %dma_wait3A_80, %dma_wait3A_81, %dma_wait3A_82] : memref<2x3x64x128xf32, #tpu.memory_space<vmem>> -> memref<1x1x64x128xf32, #tpu.memory_space<vmem>>
          %dma_wait3A_84 = tpu.memref_squeeze %dma_wait3A_83 : memref<1x1x64x128xf32, #tpu.memory_space<vmem>> -> memref<64x128xf32, #tpu.memory_space<vmem>>
          %dma_wait3A_85 = arith.constant 0 : i32
          %dma_wait3A_86 = arith.constant 0 : i32
          %dma_wait3A_87 = tpu.memref_slice %arg2[%dma_wait3A_85, %dma_wait3A_86] : memref<64x1000000xf32, #tpu.memory_space<hbm>> -> memref<64x128xf32, #tpu.memory_space<hbm>>
          %dma_wait3A_88 = arith.constant 0 : i32
          %dma_wait3A_89 = arith.constant 0 : i32
          %dma_wait3A_90 = tpu.memref_slice %arg12[%dma_wait3A, %dma_wait3A_80, %dma_wait3A_88, %dma_wait3A_89] : memref<2x3x64x128xf32, #tpu.memory_space<vmem>> -> memref<1x1x64x128xf32, #tpu.memory_space<vmem>>
          %dma_wait3A_91 = tpu.memref_squeeze %dma_wait3A_90 : memref<1x1x64x128xf32, #tpu.memory_space<vmem>> -> memref<64x128xf32, #tpu.memory_space<vmem>>
          %dma_wait3A_92 = arith.constant 0 : i32
          %dma_wait3A_93 = arith.constant 0 : i32
          %dma_wait3A_94 = tpu.memref_slice %arg2[%dma_wait3A_92, %dma_wait3A_93] : memref<64x1000000xf32, #tpu.memory_space<hbm>> -> memref<64x128xf32, #tpu.memory_space<hbm>>
          tpu.wait_dma2 semaphore(%arg14 : memref<!tpu.dma_semaphore, #tpu.memory_space<semaphore_mem>>) src(%dma_wait3A_94 : memref<64x128xf32, #tpu.memory_space<hbm>>) dst(%dma_wait3A_91 : memref<64x128xf32, #tpu.memory_space<vmem>>)
        } else {
        }
        %add3A_55 = arith.constant 1 : i32
        %add3A_56 = arith.addi %mul3A_38, %add3A_55 : i32
        %lt3A_57 = arith.cmpi slt, %add3A_56, %scan3A_9 : i32
        %convert_element_type3A_58 = arith.extui %lt3A_57 : i1 to i32
        %cond3A_59 = arith.constant 0 : i32
        %cond3A_60 = arith.cmpi ne, %convert_element_type3A_58, %cond3A_59 : i32
        scf.if %cond3A_60 {
          %dma_wait3A = arith.constant 0 : i32
          %dma_wait3A_80 = arith.constant 1 : i32
          %dma_wait3A_81 = arith.constant 0 : i32
          %dma_wait3A_82 = arith.constant 0 : i32
          %dma_wait3A_83 = tpu.memref_slice %arg12[%dma_wait3A, %dma_wait3A_80, %dma_wait3A_81, %dma_wait3A_82] : memref<2x3x64x128xf32, #tpu.memory_space<vmem>> -> memref<1x1x64x128xf32, #tpu.memory_space<vmem>>
          %dma_wait3A_84 = tpu.memref_squeeze %dma_wait3A_83 : memref<1x1x64x128xf32, #tpu.memory_space<vmem>> -> memref<64x128xf32, #tpu.memory_space<vmem>>
          %dma_wait3A_85 = arith.constant 0 : i32
          %dma_wait3A_86 = arith.constant 0 : i32
          %dma_wait3A_87 = tpu.memref_slice %arg2[%dma_wait3A_85, %dma_wait3A_86] : memref<64x1000000xf32, #tpu.memory_space<hbm>> -> memref<64x128xf32, #tpu.memory_space<hbm>>
          %dma_wait3A_88 = arith.constant 0 : i32
          %dma_wait3A_89 = arith.constant 0 : i32
          %dma_wait3A_90 = tpu.memref_slice %arg12[%dma_wait3A, %dma_wait3A_80, %dma_wait3A_88, %dma_wait3A_89] : memref<2x3x64x128xf32, #tpu.memory_space<vmem>> -> memref<1x1x64x128xf32, #tpu.memory_space<vmem>>
          %dma_wait3A_91 = tpu.memref_squeeze %dma_wait3A_90 : memref<1x1x64x128xf32, #tpu.memory_space<vmem>> -> memref<64x128xf32, #tpu.memory_space<vmem>>
          %dma_wait3A_92 = arith.constant 0 : i32
          %dma_wait3A_93 = arith.constant 0 : i32
          %dma_wait3A_94 = tpu.memref_slice %arg2[%dma_wait3A_92, %dma_wait3A_93] : memref<64x1000000xf32, #tpu.memory_space<hbm>> -> memref<64x128xf32, #tpu.memory_space<hbm>>
          tpu.wait_dma2 semaphore(%arg14 : memref<!tpu.dma_semaphore, #tpu.memory_space<semaphore_mem>>) src(%dma_wait3A_94 : memref<64x128xf32, #tpu.memory_space<hbm>>) dst(%dma_wait3A_91 : memref<64x128xf32, #tpu.memory_space<vmem>>)
        } else {
        }
        %add3A_61 = arith.constant 2 : i32
        %add3A_62 = arith.addi %mul3A_38, %add3A_61 : i32
        %lt3A_63 = arith.cmpi slt, %add3A_62, %scan3A_9 : i32
        %convert_element_type3A_64 = arith.extui %lt3A_63 : i1 to i32
        %cond3A_65 = arith.constant 0 : i32
        %cond3A_66 = arith.cmpi ne, %convert_element_type3A_64, %cond3A_65 : i32
        scf.if %cond3A_66 {
          %dma_wait3A = arith.constant 0 : i32
          %dma_wait3A_80 = arith.constant 2 : i32
          %dma_wait3A_81 = arith.constant 0 : i32
          %dma_wait3A_82 = arith.constant 0 : i32
          %dma_wait3A_83 = tpu.memref_slice %arg12[%dma_wait3A, %dma_wait3A_80, %dma_wait3A_81, %dma_wait3A_82] : memref<2x3x64x128xf32, #tpu.memory_space<vmem>> -> memref<1x1x64x128xf32, #tpu.memory_space<vmem>>
          %dma_wait3A_84 = tpu.memref_squeeze %dma_wait3A_83 : memref<1x1x64x128xf32, #tpu.memory_space<vmem>> -> memref<64x128xf32, #tpu.memory_space<vmem>>
          %dma_wait3A_85 = arith.constant 0 : i32
          %dma_wait3A_86 = arith.constant 0 : i32
          %dma_wait3A_87 = tpu.memref_slice %arg2[%dma_wait3A_85, %dma_wait3A_86] : memref<64x1000000xf32, #tpu.memory_space<hbm>> -> memref<64x128xf32, #tpu.memory_space<hbm>>
          %dma_wait3A_88 = arith.constant 0 : i32
          %dma_wait3A_89 = arith.constant 0 : i32
          %dma_wait3A_90 = tpu.memref_slice %arg12[%dma_wait3A, %dma_wait3A_80, %dma_wait3A_88, %dma_wait3A_89] : memref<2x3x64x128xf32, #tpu.memory_space<vmem>> -> memref<1x1x64x128xf32, #tpu.memory_space<vmem>>
          %dma_wait3A_91 = tpu.memref_squeeze %dma_wait3A_90 : memref<1x1x64x128xf32, #tpu.memory_space<vmem>> -> memref<64x128xf32, #tpu.memory_space<vmem>>
          %dma_wait3A_92 = arith.constant 0 : i32
          %dma_wait3A_93 = arith.constant 0 : i32
          %dma_wait3A_94 = tpu.memref_slice %arg2[%dma_wait3A_92, %dma_wait3A_93] : memref<64x1000000xf32, #tpu.memory_space<hbm>> -> memref<64x128xf32, #tpu.memory_space<hbm>>
          tpu.wait_dma2 semaphore(%arg14 : memref<!tpu.dma_semaphore, #tpu.memory_space<semaphore_mem>>) src(%dma_wait3A_94 : memref<64x128xf32, #tpu.memory_space<hbm>>) dst(%dma_wait3A_91 : memref<64x128xf32, #tpu.memory_space<vmem>>)
        } else {
        }
        %get3A = arith.index_cast %mul3A_38 : i32 to index
        %get3A_67 = tpu.vector_load %arg11[%get3A] {strides = array<i32>} : memref<544xi32, #tpu.memory_space<vmem>>, vector<16xi32>,
        %slice3A = vector.extract_strided_slice %get3A_67 {offsets = [0], sizes = [1], strides = [1]} : vector<16xi32> to vector<1xi32>
        %squeeze3A = vector.extract %slice3A[0] : i32 from vector<1xi32>
        %add3A_68 = arith.constant 3 : i32
        %add3A_69 = arith.addi %mul3A_38, %add3A_68 : i32
        %min3A = arith.minsi %add3A_69, %scan3A_9 : i32
        %get3A_70 = arith.index_cast %min3A : i32 to index
        %get3A_71 = tpu.vector_load %arg11[%get3A_70] {strides = array<i32>} : memref<544xi32, #tpu.memory_space<vmem>>, vector<16xi32>,
        %slice3A_72 = vector.extract_strided_slice %get3A_71 {offsets = [0], sizes = [1], strides = [1]} : vector<16xi32> to vector<1xi32>
        %squeeze3A_73 = vector.extract %slice3A_72[0] : i32 from vector<1xi32>
        %while3A = scf.while (%while3A_80 = %squeeze3A) : (i32) -> i32 {
          %lt3A_81 = arith.cmpi slt, %while3A_80, %squeeze3A_73 : i32
          scf.condition(%lt3A_81) %while3A_80 : i32
        } do {
        ^bb0(%while3A_80: i32):
          %get3A_81 = arith.index_cast %while3A_80 : i32 to index
          %get3A_82 = tpu.vector_load %arg9[%get3A_81] {strides = array<i32>} : memref<544xi32, #tpu.memory_space<vmem>>, vector<16xi32>,
          %slice3A_83 = vector.extract_strided_slice %get3A_82 {offsets = [0], sizes = [1], strides = [1]} : vector<16xi32> to vector<1xi32>
          %squeeze3A_84 = vector.extract %slice3A_83[0] : i32 from vector<1xi32>
          %sub3A = arith.subi %squeeze3A_84, %mul3A_38 : i32
          %get3A_85 = arith.index_cast %while3A_80 : i32 to index
          %get3A_86 = tpu.vector_load %arg6[%get3A_85] {strides = array<i32>} : memref<544xi32, #tpu.memory_space<vmem>>, vector<16xi32>,
          %slice3A_87 = vector.extract_strided_slice %get3A_86 {offsets = [0], sizes = [1], strides = [1]} : vector<16xi32> to vector<1xi32>
          %squeeze3A_88 = vector.extract %slice3A_87[0] : i32 from vector<1xi32>
          %and3A = arith.constant 127 : i32
          %and3A_89 = arith.andi %squeeze3A_88, %and3A : i32
          %get3A_90 = arith.index_cast %while3A_80 : i32 to index
          %get3A_91 = tpu.vector_load %arg7[%get3A_90] {strides = array<i32>} : memref<544xi32, #tpu.memory_space<vmem>>, vector<16xi32>,
          %slice3A_92 = vector.extract_strided_slice %get3A_91 {offsets = [0], sizes = [1], strides = [1]} : vector<16xi32> to vector<1xi32>
          %squeeze3A_93 = vector.extract %slice3A_92[0] : i32 from vector<1xi32>
          %broadcast_in_dim3A_94 = arith.constant 0 : i32
          %broadcast_in_dim3A_95 = vector.broadcast %broadcast_in_dim3A_94 : i32 to vector<16xi32>
          %broadcast_in_dim3A_96 = vector.broadcast %sub3A : i32 to vector<16xi32>
          %iota3A = tpu.iota {dimensions = array<i32: 0>} : vector<16xi32>
          %add3A_97 = arith.constant 0 : i32
          %add3A_98 = vector.broadcast %add3A_97 : i32 to vector<16xi32>
          %add3A_99 = arith.addi %add3A_98, %iota3A : vector<16xi32>
          %broadcast_in_dim3A_100 = vector.broadcast %and3A_89 : i32 to vector<16xi32>
          %gather3A = tpu.vector_load_idx %arg12[%broadcast_in_dim3A_95, %broadcast_in_dim3A_96, %add3A_99, %broadcast_in_dim3A_100] : memref<2x3x64x128xf32, #tpu.memory_space<vmem>>[vector<16xi32>, vector<16xi32>, vector<16xi32>, vector<16xi32>], vector<16xf32>,
          %swap3A_101 = arith.index_cast %while3A_80 : i32 to index
          %swap3A_102 = arith.constant 0 : index
          %swap3A_103 = tpu.vector_load %arg13[%swap3A_101, %swap3A_102] {strides = array<i32>} : memref<512x64xf32, #tpu.memory_space<vmem>>, vector<16xf32>,
          tpu.vector_store %arg13[%swap3A_101, %swap3A_102], %gather3A {strides = array<i32>} : memref<512x64xf32, #tpu.memory_space<vmem>>, vector<16xf32>,
          %broadcast_in_dim3A_104 = arith.constant 0 : i32
          %broadcast_in_dim3A_105 = vector.broadcast %broadcast_in_dim3A_104 : i32 to vector<16xi32>
          %broadcast_in_dim3A_106 = vector.broadcast %sub3A : i32 to vector<16xi32>
          %iota3A_107 = tpu.iota {dimensions = array<i32: 0>} : vector<16xi32>
          %add3A_108 = arith.constant 16 : i32
          %add3A_109 = vector.broadcast %add3A_108 : i32 to vector<16xi32>
          %add3A_110 = arith.addi %add3A_109, %iota3A_107 : vector<16xi32>
          %broadcast_in_dim3A_111 = vector.broadcast %and3A_89 : i32 to vector<16xi32>
          %gather3A_112 = tpu.vector_load_idx %arg12[%broadcast_in_dim3A_105, %broadcast_in_dim3A_106, %add3A_110, %broadcast_in_dim3A_111] : memref<2x3x64x128xf32, #tpu.memory_space<vmem>>[vector<16xi32>, vector<16xi32>, vector<16xi32>, vector<16xi32>], vector<16xf32>,
          %swap3A_113 = arith.index_cast %while3A_80 : i32 to index
          %swap3A_114 = arith.constant 16 : index
          %swap3A_115 = tpu.vector_load %arg13[%swap3A_113, %swap3A_114] {strides = array<i32>} : memref<512x64xf32, #tpu.memory_space<vmem>>, vector<16xf32>,
          tpu.vector_store %arg13[%swap3A_113, %swap3A_114], %gather3A_112 {strides = array<i32>} : memref<512x64xf32, #tpu.memory_space<vmem>>, vector<16xf32>,
          %broadcast_in_dim3A_116 = arith.constant 0 : i32
          %broadcast_in_dim3A_117 = vector.broadcast %broadcast_in_dim3A_116 : i32 to vector<16xi32>
          %broadcast_in_dim3A_118 = vector.broadcast %sub3A : i32 to vector<16xi32>
          %iota3A_119 = tpu.iota {dimensions = array<i32: 0>} : vector<16xi32>
          %add3A_120 = arith.constant 32 : i32
          %add3A_121 = vector.broadcast %add3A_120 : i32 to vector<16xi32>
          %add3A_122 = arith.addi %add3A_121, %iota3A_119 : vector<16xi32>
          %broadcast_in_dim3A_123 = vector.broadcast %and3A_89 : i32 to vector<16xi32>
          %gather3A_124 = tpu.vector_load_idx %arg12[%broadcast_in_dim3A_117, %broadcast_in_dim3A_118, %add3A_122, %broadcast_in_dim3A_123] : memref<2x3x64x128xf32, #tpu.memory_space<vmem>>[vector<16xi32>, vector<16xi32>, vector<16xi32>, vector<16xi32>], vector<16xf32>,
          %swap3A_125 = arith.index_cast %while3A_80 : i32 to index
          %swap3A_126 = arith.constant 32 : index
          %swap3A_127 = tpu.vector_load %arg13[%swap3A_125, %swap3A_126] {strides = array<i32>} : memref<512x64xf32, #tpu.memory_space<vmem>>, vector<16xf32>,
          tpu.vector_store %arg13[%swap3A_125, %swap3A_126], %gather3A_124 {strides = array<i32>} : memref<512x64xf32, #tpu.memory_space<vmem>>, vector<16xf32>,
          %broadcast_in_dim3A_128 = arith.constant 0 : i32
          %broadcast_in_dim3A_129 = vector.broadcast %broadcast_in_dim3A_128 : i32 to vector<16xi32>
          %broadcast_in_dim3A_130 = vector.broadcast %sub3A : i32 to vector<16xi32>
          %iota3A_131 = tpu.iota {dimensions = array<i32: 0>} : vector<16xi32>
          %add3A_132 = arith.constant 48 : i32
          %add3A_133 = vector.broadcast %add3A_132 : i32 to vector<16xi32>
          %add3A_134 = arith.addi %add3A_133, %iota3A_131 : vector<16xi32>
          %broadcast_in_dim3A_135 = vector.broadcast %and3A_89 : i32 to vector<16xi32>
          %gather3A_136 = tpu.vector_load_idx %arg12[%broadcast_in_dim3A_129, %broadcast_in_dim3A_130, %add3A_134, %broadcast_in_dim3A_135] : memref<2x3x64x128xf32, #tpu.memory_space<vmem>>[vector<16xi32>, vector<16xi32>, vector<16xi32>, vector<16xi32>], vector<16xf32>,
          %swap3A_137 = arith.index_cast %while3A_80 : i32 to index
          %swap3A_138 = arith.constant 48 : index
          %swap3A_139 = tpu.vector_load %arg13[%swap3A_137, %swap3A_138] {strides = array<i32>} : memref<512x64xf32, #tpu.memory_space<vmem>>, vector<16xf32>,
          tpu.vector_store %arg13[%swap3A_137, %swap3A_138], %gather3A_136 {strides = array<i32>} : memref<512x64xf32, #tpu.memory_space<vmem>>, vector<16xf32>,
          %dma_start3A = arith.constant 0 : i32
          %dma_start3A_140 = tpu.memref_slice %arg13[%while3A_80, %dma_start3A] : memref<512x64xf32, #tpu.memory_space<vmem>> -> memref<1x64xf32, #tpu.memory_space<vmem>>
          %dma_start3A_141 = arith.constant 0 : i32
          %dma_start3A_142 = tpu.memref_slice %arg5[%squeeze3A_93, %dma_start3A_141] : memref<16384x64xf32, #tpu.memory_space<hbm>> -> memref<1x64xf32, #tpu.memory_space<hbm>>
          %dma_start3A_143 = arith.constant 0 : i32
          %dma_start3A_144 = tpu.memref_slice %arg5[%squeeze3A_93, %dma_start3A_143] : memref<16384x64xf32, #tpu.memory_space<hbm>> -> memref<1x64xf32, #tpu.memory_space<hbm>>
          %dma_start3A_145 = arith.constant 0 : i32
          %dma_start3A_146 = tpu.memref_slice %arg13[%while3A_80, %dma_start3A_145] : memref<512x64xf32, #tpu.memory_space<vmem>> -> memref<1x64xf32, #tpu.memory_space<vmem>>
          tpu.enqueue_dma source(%dma_start3A_146 : memref<1x64xf32, #tpu.memory_space<vmem>>) target(%dma_start3A_144 : memref<1x64xf32, #tpu.memory_space<hbm>>) target_semaphore(%arg16 : memref<!tpu.dma_semaphore, #tpu.memory_space<semaphore_mem>>)
          %add3A_147 = arith.constant 1 : i32
          %add3A_148 = arith.addi %while3A_80, %add3A_147 : i32
          scf.yield %add3A_148 : i32
        }
        %add3A_74 = arith.constant 6 : i32
        %add3A_75 = arith.addi %mul3A_38, %add3A_74 : i32
        %lt3A_76 = arith.cmpi slt, %add3A_75, %scan3A_9 : i32
        %convert_element_type3A_77 = arith.extui %lt3A_76 : i1 to i32
        %cond3A_78 = arith.constant 0 : i32
        %cond3A_79 = arith.cmpi ne, %convert_element_type3A_77, %cond3A_78 : i32
        scf.if %cond3A_79 {
          %get3A_80 = arith.index_cast %add3A_75 : i32 to index
          %get3A_81 = tpu.vector_load %arg10[%get3A_80] {strides = array<i32>} : memref<544xi32, #tpu.memory_space<vmem>>, vector<16xi32>,
          %add3A_82 = arith.constant 0 : i32
          %add3A_83 = arith.addi %add3A_75, %add3A_82 : i32
          %lt3A_84 = arith.cmpi slt, %add3A_83, %scan3A_9 : i32
          %convert_element_type3A_85 = arith.extui %lt3A_84 : i1 to i32
          %cond3A_86 = arith.constant 0 : i32
          %cond3A_87 = arith.cmpi ne, %convert_element_type3A_85, %cond3A_86 : i32
          scf.if %cond3A_87 {
            %slice3A_100 = vector.extract_strided_slice %get3A_81 {offsets = [0], sizes = [1], strides = [1]} : vector<16xi32> to vector<1xi32>
            %squeeze3A_101 = vector.extract %slice3A_100[0] : i32 from vector<1xi32>
            %mul3A_102 = arith.constant 128 : i32
            %mul3A_103 = arith.muli %squeeze3A_101, %mul3A_102 : i32
            %multiple_of3A = tpu.assume_multiple %mul3A_103, 128 : i32
            %dma_start3A = arith.constant 0 : i32
            %dma_start3A_104 = arith.constant 0 : i32
            %dma_start3A_105 = arith.constant 0 : i32
            %dma_start3A_106 = arith.constant 0 : i32
            %dma_start3A_107 = tpu.memref_slice %arg12[%dma_start3A, %dma_start3A_104, %dma_start3A_105, %dma_start3A_106] : memref<2x3x64x128xf32, #tpu.memory_space<vmem>> -> memref<1x1x64x128xf32, #tpu.memory_space<vmem>>
            %dma_start3A_108 = tpu.memref_squeeze %dma_start3A_107 : memref<1x1x64x128xf32, #tpu.memory_space<vmem>> -> memref<64x128xf32, #tpu.memory_space<vmem>>
            %dma_start3A_109 = arith.constant 0 : i32
            %dma_start3A_110 = tpu.memref_slice %arg2[%dma_start3A_109, %multiple_of3A] : memref<64x1000000xf32, #tpu.memory_space<hbm>> -> memref<64x128xf32, #tpu.memory_space<hbm>>
            %dma_start3A_111 = arith.constant 0 : i32
            %dma_start3A_112 = arith.constant 0 : i32
            %dma_start3A_113 = tpu.memref_slice %arg12[%dma_start3A, %dma_start3A_104, %dma_start3A_111, %dma_start3A_112] : memref<2x3x64x128xf32, #tpu.memory_space<vmem>> -> memref<1x1x64x128xf32, #tpu.memory_space<vmem>>
            %dma_start3A_114 = tpu.memref_squeeze %dma_start3A_113 : memref<1x1x64x128xf32, #tpu.memory_space<vmem>> -> memref<64x128xf32, #tpu.memory_space<vmem>>
            %dma_start3A_115 = arith.constant 0 : i32
            %dma_start3A_116 = tpu.memref_slice %arg2[%dma_start3A_115, %multiple_of3A] : memref<64x1000000xf32, #tpu.memory_space<hbm>> -> memref<64x128xf32, #tpu.memory_space<hbm>>
            tpu.enqueue_dma source(%dma_start3A_116 : memref<64x128xf32, #tpu.memory_space<hbm>>) target(%dma_start3A_114 : memref<64x128xf32, #tpu.memory_space<vmem>>) target_semaphore(%arg14 : memref<!tpu.dma_semaphore, #tpu.memory_space<semaphore_mem>>)
          } else {
          }
          %add3A_88 = arith.constant 1 : i32
          %add3A_89 = arith.addi %add3A_75, %add3A_88 : i32
          %lt3A_90 = arith.cmpi slt, %add3A_89, %scan3A_9 : i32
          %convert_element_type3A_91 = arith.extui %lt3A_90 : i1 to i32
          %cond3A_92 = arith.constant 0 : i32
          %cond3A_93 = arith.cmpi ne, %convert_element_type3A_91, %cond3A_92 : i32
          scf.if %cond3A_93 {
            %slice3A_100 = vector.extract_strided_slice %get3A_81 {offsets = [1], sizes = [1], strides = [1]} : vector<16xi32> to vector<1xi32>
            %squeeze3A_101 = vector.extract %slice3A_100[0] : i32 from vector<1xi32>
            %mul3A_102 = arith.constant 128 : i32
            %mul3A_103 = arith.muli %squeeze3A_101, %mul3A_102 : i32
            %multiple_of3A = tpu.assume_multiple %mul3A_103, 128 : i32
            %dma_start3A = arith.constant 0 : i32
            %dma_start3A_104 = arith.constant 1 : i32
            %dma_start3A_105 = arith.constant 0 : i32
            %dma_start3A_106 = arith.constant 0 : i32
            %dma_start3A_107 = tpu.memref_slice %arg12[%dma_start3A, %dma_start3A_104, %dma_start3A_105, %dma_start3A_106] : memref<2x3x64x128xf32, #tpu.memory_space<vmem>> -> memref<1x1x64x128xf32, #tpu.memory_space<vmem>>
            %dma_start3A_108 = tpu.memref_squeeze %dma_start3A_107 : memref<1x1x64x128xf32, #tpu.memory_space<vmem>> -> memref<64x128xf32, #tpu.memory_space<vmem>>
            %dma_start3A_109 = arith.constant 0 : i32
            %dma_start3A_110 = tpu.memref_slice %arg2[%dma_start3A_109, %multiple_of3A] : memref<64x1000000xf32, #tpu.memory_space<hbm>> -> memref<64x128xf32, #tpu.memory_space<hbm>>
            %dma_start3A_111 = arith.constant 0 : i32
            %dma_start3A_112 = arith.constant 0 : i32
            %dma_start3A_113 = tpu.memref_slice %arg12[%dma_start3A, %dma_start3A_104, %dma_start3A_111, %dma_start3A_112] : memref<2x3x64x128xf32, #tpu.memory_space<vmem>> -> memref<1x1x64x128xf32, #tpu.memory_space<vmem>>
            %dma_start3A_114 = tpu.memref_squeeze %dma_start3A_113 : memref<1x1x64x128xf32, #tpu.memory_space<vmem>> -> memref<64x128xf32, #tpu.memory_space<vmem>>
            %dma_start3A_115 = arith.constant 0 : i32
            %dma_start3A_116 = tpu.memref_slice %arg2[%dma_start3A_115, %multiple_of3A] : memref<64x1000000xf32, #tpu.memory_space<hbm>> -> memref<64x128xf32, #tpu.memory_space<hbm>>
            tpu.enqueue_dma source(%dma_start3A_116 : memref<64x128xf32, #tpu.memory_space<hbm>>) target(%dma_start3A_114 : memref<64x128xf32, #tpu.memory_space<vmem>>) target_semaphore(%arg14 : memref<!tpu.dma_semaphore, #tpu.memory_space<semaphore_mem>>)
          } else {
          }
          %add3A_94 = arith.constant 2 : i32
          %add3A_95 = arith.addi %add3A_75, %add3A_94 : i32
          %lt3A_96 = arith.cmpi slt, %add3A_95, %scan3A_9 : i32
          %convert_element_type3A_97 = arith.extui %lt3A_96 : i1 to i32
          %cond3A_98 = arith.constant 0 : i32
          %cond3A_99 = arith.cmpi ne, %convert_element_type3A_97, %cond3A_98 : i32
          scf.if %cond3A_99 {
            %slice3A_100 = vector.extract_strided_slice %get3A_81 {offsets = [2], sizes = [1], strides = [1]} : vector<16xi32> to vector<1xi32>
            %squeeze3A_101 = vector.extract %slice3A_100[0] : i32 from vector<1xi32>
            %mul3A_102 = arith.constant 128 : i32
            %mul3A_103 = arith.muli %squeeze3A_101, %mul3A_102 : i32
            %multiple_of3A = tpu.assume_multiple %mul3A_103, 128 : i32
            %dma_start3A = arith.constant 0 : i32
            %dma_start3A_104 = arith.constant 2 : i32
            %dma_start3A_105 = arith.constant 0 : i32
            %dma_start3A_106 = arith.constant 0 : i32
            %dma_start3A_107 = tpu.memref_slice %arg12[%dma_start3A, %dma_start3A_104, %dma_start3A_105, %dma_start3A_106] : memref<2x3x64x128xf32, #tpu.memory_space<vmem>> -> memref<1x1x64x128xf32, #tpu.memory_space<vmem>>
            %dma_start3A_108 = tpu.memref_squeeze %dma_start3A_107 : memref<1x1x64x128xf32, #tpu.memory_space<vmem>> -> memref<64x128xf32, #tpu.memory_space<vmem>>
            %dma_start3A_109 = arith.constant 0 : i32
            %dma_start3A_110 = tpu.memref_slice %arg2[%dma_start3A_109, %multiple_of3A] : memref<64x1000000xf32, #tpu.memory_space<hbm>> -> memref<64x128xf32, #tpu.memory_space<hbm>>
            %dma_start3A_111 = arith.constant 0 : i32
            %dma_start3A_112 = arith.constant 0 : i32
            %dma_start3A_113 = tpu.memref_slice %arg12[%dma_start3A, %dma_start3A_104, %dma_start3A_111, %dma_start3A_112] : memref<2x3x64x128xf32, #tpu.memory_space<vmem>> -> memref<1x1x64x128xf32, #tpu.memory_space<vmem>>
            %dma_start3A_114 = tpu.memref_squeeze %dma_start3A_113 : memref<1x1x64x128xf32, #tpu.memory_space<vmem>> -> memref<64x128xf32, #tpu.memory_space<vmem>>
            %dma_start3A_115 = arith.constant 0 : i32
            %dma_start3A_116 = tpu.memref_slice %arg2[%dma_start3A_115, %multiple_of3A] : memref<64x1000000xf32, #tpu.memory_space<hbm>> -> memref<64x128xf32, #tpu.memory_space<hbm>>
            tpu.enqueue_dma source(%dma_start3A_116 : memref<64x128xf32, #tpu.memory_space<hbm>>) target(%dma_start3A_114 : memref<64x128xf32, #tpu.memory_space<vmem>>) target_semaphore(%arg14 : memref<!tpu.dma_semaphore, #tpu.memory_space<semaphore_mem>>)
          } else {
          }
        } else {
        }
      } else {
      }
      %add3A_43 = arith.constant 3 : i32
      %add3A_44 = arith.addi %mul3A_38, %add3A_43 : i32
      %lt3A_45 = arith.cmpi slt, %add3A_44, %scan3A_9 : i32
      %convert_element_type3A_46 = arith.extui %lt3A_45 : i1 to i32
      %cond3A_47 = arith.constant 0 : i32
      %cond3A_48 = arith.cmpi ne, %convert_element_type3A_46, %cond3A_47 : i32
      scf.if %cond3A_48 {
        %add3A_49 = arith.constant 0 : i32
        %add3A_50 = arith.addi %add3A_44, %add3A_49 : i32
        %lt3A_51 = arith.cmpi slt, %add3A_50, %scan3A_9 : i32
        %convert_element_type3A_52 = arith.extui %lt3A_51 : i1 to i32
        %cond3A_53 = arith.constant 0 : i32
        %cond3A_54 = arith.cmpi ne, %convert_element_type3A_52, %cond3A_53 : i32
        scf.if %cond3A_54 {
          %dma_wait3A = arith.constant 1 : i32
          %dma_wait3A_80 = arith.constant 0 : i32
          %dma_wait3A_81 = arith.constant 0 : i32
          %dma_wait3A_82 = arith.constant 0 : i32
          %dma_wait3A_83 = tpu.memref_slice %arg12[%dma_wait3A, %dma_wait3A_80, %dma_wait3A_81, %dma_wait3A_82] : memref<2x3x64x128xf32, #tpu.memory_space<vmem>> -> memref<1x1x64x128xf32, #tpu.memory_space<vmem>>
          %dma_wait3A_84 = tpu.memref_squeeze %dma_wait3A_83 : memref<1x1x64x128xf32, #tpu.memory_space<vmem>> -> memref<64x128xf32, #tpu.memory_space<vmem>>
          %dma_wait3A_85 = arith.constant 0 : i32
          %dma_wait3A_86 = arith.constant 0 : i32
          %dma_wait3A_87 = tpu.memref_slice %arg2[%dma_wait3A_85, %dma_wait3A_86] : memref<64x1000000xf32, #tpu.memory_space<hbm>> -> memref<64x128xf32, #tpu.memory_space<hbm>>
          %dma_wait3A_88 = arith.constant 0 : i32
          %dma_wait3A_89 = arith.constant 0 : i32
          %dma_wait3A_90 = tpu.memref_slice %arg12[%dma_wait3A, %dma_wait3A_80, %dma_wait3A_88, %dma_wait3A_89] : memref<2x3x64x128xf32, #tpu.memory_space<vmem>> -> memref<1x1x64x128xf32, #tpu.memory_space<vmem>>
          %dma_wait3A_91 = tpu.memref_squeeze %dma_wait3A_90 : memref<1x1x64x128xf32, #tpu.memory_space<vmem>> -> memref<64x128xf32, #tpu.memory_space<vmem>>
          %dma_wait3A_92 = arith.constant 0 : i32
          %dma_wait3A_93 = arith.constant 0 : i32
          %dma_wait3A_94 = tpu.memref_slice %arg2[%dma_wait3A_92, %dma_wait3A_93] : memref<64x1000000xf32, #tpu.memory_space<hbm>> -> memref<64x128xf32, #tpu.memory_space<hbm>>
          tpu.wait_dma2 semaphore(%arg15 : memref<!tpu.dma_semaphore, #tpu.memory_space<semaphore_mem>>) src(%dma_wait3A_94 : memref<64x128xf32, #tpu.memory_space<hbm>>) dst(%dma_wait3A_91 : memref<64x128xf32, #tpu.memory_space<vmem>>)
        } else {
        }
        %add3A_55 = arith.constant 1 : i32
        %add3A_56 = arith.addi %add3A_44, %add3A_55 : i32
        %lt3A_57 = arith.cmpi slt, %add3A_56, %scan3A_9 : i32
        %convert_element_type3A_58 = arith.extui %lt3A_57 : i1 to i32
        %cond3A_59 = arith.constant 0 : i32
        %cond3A_60 = arith.cmpi ne, %convert_element_type3A_58, %cond3A_59 : i32
        scf.if %cond3A_60 {
          %dma_wait3A = arith.constant 1 : i32
          %dma_wait3A_80 = arith.constant 1 : i32
          %dma_wait3A_81 = arith.constant 0 : i32
          %dma_wait3A_82 = arith.constant 0 : i32
          %dma_wait3A_83 = tpu.memref_slice %arg12[%dma_wait3A, %dma_wait3A_80, %dma_wait3A_81, %dma_wait3A_82] : memref<2x3x64x128xf32, #tpu.memory_space<vmem>> -> memref<1x1x64x128xf32, #tpu.memory_space<vmem>>
          %dma_wait3A_84 = tpu.memref_squeeze %dma_wait3A_83 : memref<1x1x64x128xf32, #tpu.memory_space<vmem>> -> memref<64x128xf32, #tpu.memory_space<vmem>>
          %dma_wait3A_85 = arith.constant 0 : i32
          %dma_wait3A_86 = arith.constant 0 : i32
          %dma_wait3A_87 = tpu.memref_slice %arg2[%dma_wait3A_85, %dma_wait3A_86] : memref<64x1000000xf32, #tpu.memory_space<hbm>> -> memref<64x128xf32, #tpu.memory_space<hbm>>
          %dma_wait3A_88 = arith.constant 0 : i32
          %dma_wait3A_89 = arith.constant 0 : i32
          %dma_wait3A_90 = tpu.memref_slice %arg12[%dma_wait3A, %dma_wait3A_80, %dma_wait3A_88, %dma_wait3A_89] : memref<2x3x64x128xf32, #tpu.memory_space<vmem>> -> memref<1x1x64x128xf32, #tpu.memory_space<vmem>>
          %dma_wait3A_91 = tpu.memref_squeeze %dma_wait3A_90 : memref<1x1x64x128xf32, #tpu.memory_space<vmem>> -> memref<64x128xf32, #tpu.memory_space<vmem>>
          %dma_wait3A_92 = arith.constant 0 : i32
          %dma_wait3A_93 = arith.constant 0 : i32
          %dma_wait3A_94 = tpu.memref_slice %arg2[%dma_wait3A_92, %dma_wait3A_93] : memref<64x1000000xf32, #tpu.memory_space<hbm>> -> memref<64x128xf32, #tpu.memory_space<hbm>>
          tpu.wait_dma2 semaphore(%arg15 : memref<!tpu.dma_semaphore, #tpu.memory_space<semaphore_mem>>) src(%dma_wait3A_94 : memref<64x128xf32, #tpu.memory_space<hbm>>) dst(%dma_wait3A_91 : memref<64x128xf32, #tpu.memory_space<vmem>>)
        } else {
        }
        %add3A_61 = arith.constant 2 : i32
        %add3A_62 = arith.addi %add3A_44, %add3A_61 : i32
        %lt3A_63 = arith.cmpi slt, %add3A_62, %scan3A_9 : i32
        %convert_element_type3A_64 = arith.extui %lt3A_63 : i1 to i32
        %cond3A_65 = arith.constant 0 : i32
        %cond3A_66 = arith.cmpi ne, %convert_element_type3A_64, %cond3A_65 : i32
        scf.if %cond3A_66 {
          %dma_wait3A = arith.constant 1 : i32
          %dma_wait3A_80 = arith.constant 2 : i32
          %dma_wait3A_81 = arith.constant 0 : i32
          %dma_wait3A_82 = arith.constant 0 : i32
          %dma_wait3A_83 = tpu.memref_slice %arg12[%dma_wait3A, %dma_wait3A_80, %dma_wait3A_81, %dma_wait3A_82] : memref<2x3x64x128xf32, #tpu.memory_space<vmem>> -> memref<1x1x64x128xf32, #tpu.memory_space<vmem>>
          %dma_wait3A_84 = tpu.memref_squeeze %dma_wait3A_83 : memref<1x1x64x128xf32, #tpu.memory_space<vmem>> -> memref<64x128xf32, #tpu.memory_space<vmem>>
          %dma_wait3A_85 = arith.constant 0 : i32
          %dma_wait3A_86 = arith.constant 0 : i32
          %dma_wait3A_87 = tpu.memref_slice %arg2[%dma_wait3A_85, %dma_wait3A_86] : memref<64x1000000xf32, #tpu.memory_space<hbm>> -> memref<64x128xf32, #tpu.memory_space<hbm>>
          %dma_wait3A_88 = arith.constant 0 : i32
          %dma_wait3A_89 = arith.constant 0 : i32
          %dma_wait3A_90 = tpu.memref_slice %arg12[%dma_wait3A, %dma_wait3A_80, %dma_wait3A_88, %dma_wait3A_89] : memref<2x3x64x128xf32, #tpu.memory_space<vmem>> -> memref<1x1x64x128xf32, #tpu.memory_space<vmem>>
          %dma_wait3A_91 = tpu.memref_squeeze %dma_wait3A_90 : memref<1x1x64x128xf32, #tpu.memory_space<vmem>> -> memref<64x128xf32, #tpu.memory_space<vmem>>
          %dma_wait3A_92 = arith.constant 0 : i32
          %dma_wait3A_93 = arith.constant 0 : i32
          %dma_wait3A_94 = tpu.memref_slice %arg2[%dma_wait3A_92, %dma_wait3A_93] : memref<64x1000000xf32, #tpu.memory_space<hbm>> -> memref<64x128xf32, #tpu.memory_space<hbm>>
          tpu.wait_dma2 semaphore(%arg15 : memref<!tpu.dma_semaphore, #tpu.memory_space<semaphore_mem>>) src(%dma_wait3A_94 : memref<64x128xf32, #tpu.memory_space<hbm>>) dst(%dma_wait3A_91 : memref<64x128xf32, #tpu.memory_space<vmem>>)
        } else {
        }
        %get3A = arith.index_cast %add3A_44 : i32 to index
        %get3A_67 = tpu.vector_load %arg11[%get3A] {strides = array<i32>} : memref<544xi32, #tpu.memory_space<vmem>>, vector<16xi32>,
        %slice3A = vector.extract_strided_slice %get3A_67 {offsets = [0], sizes = [1], strides = [1]} : vector<16xi32> to vector<1xi32>
        %squeeze3A = vector.extract %slice3A[0] : i32 from vector<1xi32>
        %add3A_68 = arith.constant 3 : i32
        %add3A_69 = arith.addi %add3A_44, %add3A_68 : i32
        %min3A = arith.minsi %add3A_69, %scan3A_9 : i32
        %get3A_70 = arith.index_cast %min3A : i32 to index
        %get3A_71 = tpu.vector_load %arg11[%get3A_70] {strides = array<i32>} : memref<544xi32, #tpu.memory_space<vmem>>, vector<16xi32>,
        %slice3A_72 = vector.extract_strided_slice %get3A_71 {offsets = [0], sizes = [1], strides = [1]} : vector<16xi32> to vector<1xi32>
        %squeeze3A_73 = vector.extract %slice3A_72[0] : i32 from vector<1xi32>
        %while3A = scf.while (%while3A_80 = %squeeze3A) : (i32) -> i32 {
          %lt3A_81 = arith.cmpi slt, %while3A_80, %squeeze3A_73 : i32
          scf.condition(%lt3A_81) %while3A_80 : i32
        } do {
        ^bb0(%while3A_80: i32):
          %get3A_81 = arith.index_cast %while3A_80 : i32 to index
          %get3A_82 = tpu.vector_load %arg9[%get3A_81] {strides = array<i32>} : memref<544xi32, #tpu.memory_space<vmem>>, vector<16xi32>,
          %slice3A_83 = vector.extract_strided_slice %get3A_82 {offsets = [0], sizes = [1], strides = [1]} : vector<16xi32> to vector<1xi32>
          %squeeze3A_84 = vector.extract %slice3A_83[0] : i32 from vector<1xi32>
          %sub3A = arith.subi %squeeze3A_84, %add3A_44 : i32
          %get3A_85 = arith.index_cast %while3A_80 : i32 to index
          %get3A_86 = tpu.vector_load %arg6[%get3A_85] {strides = array<i32>} : memref<544xi32, #tpu.memory_space<vmem>>, vector<16xi32>,
          %slice3A_87 = vector.extract_strided_slice %get3A_86 {offsets = [0], sizes = [1], strides = [1]} : vector<16xi32> to vector<1xi32>
          %squeeze3A_88 = vector.extract %slice3A_87[0] : i32 from vector<1xi32>
          %and3A = arith.constant 127 : i32
          %and3A_89 = arith.andi %squeeze3A_88, %and3A : i32
          %get3A_90 = arith.index_cast %while3A_80 : i32 to index
          %get3A_91 = tpu.vector_load %arg7[%get3A_90] {strides = array<i32>} : memref<544xi32, #tpu.memory_space<vmem>>, vector<16xi32>,
          %slice3A_92 = vector.extract_strided_slice %get3A_91 {offsets = [0], sizes = [1], strides = [1]} : vector<16xi32> to vector<1xi32>
          %squeeze3A_93 = vector.extract %slice3A_92[0] : i32 from vector<1xi32>
          %broadcast_in_dim3A_94 = arith.constant 1 : i32
          %broadcast_in_dim3A_95 = vector.broadcast %broadcast_in_dim3A_94 : i32 to vector<16xi32>
          %broadcast_in_dim3A_96 = vector.broadcast %sub3A : i32 to vector<16xi32>
          %iota3A = tpu.iota {dimensions = array<i32: 0>} : vector<16xi32>
          %add3A_97 = arith.constant 0 : i32
          %add3A_98 = vector.broadcast %add3A_97 : i32 to vector<16xi32>
          %add3A_99 = arith.addi %add3A_98, %iota3A : vector<16xi32>
          %broadcast_in_dim3A_100 = vector.broadcast %and3A_89 : i32 to vector<16xi32>
          %gather3A = tpu.vector_load_idx %arg12[%broadcast_in_dim3A_95, %broadcast_in_dim3A_96, %add3A_99, %broadcast_in_dim3A_100] : memref<2x3x64x128xf32, #tpu.memory_space<vmem>>[vector<16xi32>, vector<16xi32>, vector<16xi32>, vector<16xi32>], vector<16xf32>,
          %swap3A_101 = arith.index_cast %while3A_80 : i32 to index
          %swap3A_102 = arith.constant 0 : index
          %swap3A_103 = tpu.vector_load %arg13[%swap3A_101, %swap3A_102] {strides = array<i32>} : memref<512x64xf32, #tpu.memory_space<vmem>>, vector<16xf32>,
          tpu.vector_store %arg13[%swap3A_101, %swap3A_102], %gather3A {strides = array<i32>} : memref<512x64xf32, #tpu.memory_space<vmem>>, vector<16xf32>,
          %broadcast_in_dim3A_104 = arith.constant 1 : i32
          %broadcast_in_dim3A_105 = vector.broadcast %broadcast_in_dim3A_104 : i32 to vector<16xi32>
          %broadcast_in_dim3A_106 = vector.broadcast %sub3A : i32 to vector<16xi32>
          %iota3A_107 = tpu.iota {dimensions = array<i32: 0>} : vector<16xi32>
          %add3A_108 = arith.constant 16 : i32
          %add3A_109 = vector.broadcast %add3A_108 : i32 to vector<16xi32>
          %add3A_110 = arith.addi %add3A_109, %iota3A_107 : vector<16xi32>
          %broadcast_in_dim3A_111 = vector.broadcast %and3A_89 : i32 to vector<16xi32>
          %gather3A_112 = tpu.vector_load_idx %arg12[%broadcast_in_dim3A_105, %broadcast_in_dim3A_106, %add3A_110, %broadcast_in_dim3A_111] : memref<2x3x64x128xf32, #tpu.memory_space<vmem>>[vector<16xi32>, vector<16xi32>, vector<16xi32>, vector<16xi32>], vector<16xf32>,
          %swap3A_113 = arith.index_cast %while3A_80 : i32 to index
          %swap3A_114 = arith.constant 16 : index
          %swap3A_115 = tpu.vector_load %arg13[%swap3A_113, %swap3A_114] {strides = array<i32>} : memref<512x64xf32, #tpu.memory_space<vmem>>, vector<16xf32>,
          tpu.vector_store %arg13[%swap3A_113, %swap3A_114], %gather3A_112 {strides = array<i32>} : memref<512x64xf32, #tpu.memory_space<vmem>>, vector<16xf32>,
          %broadcast_in_dim3A_116 = arith.constant 1 : i32
          %broadcast_in_dim3A_117 = vector.broadcast %broadcast_in_dim3A_116 : i32 to vector<16xi32>
          %broadcast_in_dim3A_118 = vector.broadcast %sub3A : i32 to vector<16xi32>
          %iota3A_119 = tpu.iota {dimensions = array<i32: 0>} : vector<16xi32>
          %add3A_120 = arith.constant 32 : i32
          %add3A_121 = vector.broadcast %add3A_120 : i32 to vector<16xi32>
          %add3A_122 = arith.addi %add3A_121, %iota3A_119 : vector<16xi32>
          %broadcast_in_dim3A_123 = vector.broadcast %and3A_89 : i32 to vector<16xi32>
          %gather3A_124 = tpu.vector_load_idx %arg12[%broadcast_in_dim3A_117, %broadcast_in_dim3A_118, %add3A_122, %broadcast_in_dim3A_123] : memref<2x3x64x128xf32, #tpu.memory_space<vmem>>[vector<16xi32>, vector<16xi32>, vector<16xi32>, vector<16xi32>], vector<16xf32>,
          %swap3A_125 = arith.index_cast %while3A_80 : i32 to index
          %swap3A_126 = arith.constant 32 : index
          %swap3A_127 = tpu.vector_load %arg13[%swap3A_125, %swap3A_126] {strides = array<i32>} : memref<512x64xf32, #tpu.memory_space<vmem>>, vector<16xf32>,
          tpu.vector_store %arg13[%swap3A_125, %swap3A_126], %gather3A_124 {strides = array<i32>} : memref<512x64xf32, #tpu.memory_space<vmem>>, vector<16xf32>,
          %broadcast_in_dim3A_128 = arith.constant 1 : i32
          %broadcast_in_dim3A_129 = vector.broadcast %broadcast_in_dim3A_128 : i32 to vector<16xi32>
          %broadcast_in_dim3A_130 = vector.broadcast %sub3A : i32 to vector<16xi32>
          %iota3A_131 = tpu.iota {dimensions = array<i32: 0>} : vector<16xi32>
          %add3A_132 = arith.constant 48 : i32
          %add3A_133 = vector.broadcast %add3A_132 : i32 to vector<16xi32>
          %add3A_134 = arith.addi %add3A_133, %iota3A_131 : vector<16xi32>
          %broadcast_in_dim3A_135 = vector.broadcast %and3A_89 : i32 to vector<16xi32>
          %gather3A_136 = tpu.vector_load_idx %arg12[%broadcast_in_dim3A_129, %broadcast_in_dim3A_130, %add3A_134, %broadcast_in_dim3A_135] : memref<2x3x64x128xf32, #tpu.memory_space<vmem>>[vector<16xi32>, vector<16xi32>, vector<16xi32>, vector<16xi32>], vector<16xf32>,
          %swap3A_137 = arith.index_cast %while3A_80 : i32 to index
          %swap3A_138 = arith.constant 48 : index
          %swap3A_139 = tpu.vector_load %arg13[%swap3A_137, %swap3A_138] {strides = array<i32>} : memref<512x64xf32, #tpu.memory_space<vmem>>, vector<16xf32>,
          tpu.vector_store %arg13[%swap3A_137, %swap3A_138], %gather3A_136 {strides = array<i32>} : memref<512x64xf32, #tpu.memory_space<vmem>>, vector<16xf32>,
          %dma_start3A = arith.constant 0 : i32
          %dma_start3A_140 = tpu.memref_slice %arg13[%while3A_80, %dma_start3A] : memref<512x64xf32, #tpu.memory_space<vmem>> -> memref<1x64xf32, #tpu.memory_space<vmem>>
          %dma_start3A_141 = arith.constant 0 : i32
          %dma_start3A_142 = tpu.memref_slice %arg5[%squeeze3A_93, %dma_start3A_141] : memref<16384x64xf32, #tpu.memory_space<hbm>> -> memref<1x64xf32, #tpu.memory_space<hbm>>
          %dma_start3A_143 = arith.constant 0 : i32
          %dma_start3A_144 = tpu.memref_slice %arg5[%squeeze3A_93, %dma_start3A_143] : memref<16384x64xf32, #tpu.memory_space<hbm>> -> memref<1x64xf32, #tpu.memory_space<hbm>>
          %dma_start3A_145 = arith.constant 0 : i32
          %dma_start3A_146 = tpu.memref_slice %arg13[%while3A_80, %dma_start3A_145] : memref<512x64xf32, #tpu.memory_space<vmem>> -> memref<1x64xf32, #tpu.memory_space<vmem>>
          tpu.enqueue_dma source(%dma_start3A_146 : memref<1x64xf32, #tpu.memory_space<vmem>>) target(%dma_start3A_144 : memref<1x64xf32, #tpu.memory_space<hbm>>) target_semaphore(%arg16 : memref<!tpu.dma_semaphore, #tpu.memory_space<semaphore_mem>>)
          %add3A_147 = arith.constant 1 : i32
          %add3A_148 = arith.addi %while3A_80, %add3A_147 : i32
          scf.yield %add3A_148 : i32
        }
        %add3A_74 = arith.constant 6 : i32
        %add3A_75 = arith.addi %add3A_44, %add3A_74 : i32
        %lt3A_76 = arith.cmpi slt, %add3A_75, %scan3A_9 : i32
        %convert_element_type3A_77 = arith.extui %lt3A_76 : i1 to i32
        %cond3A_78 = arith.constant 0 : i32
        %cond3A_79 = arith.cmpi ne, %convert_element_type3A_77, %cond3A_78 : i32
        scf.if %cond3A_79 {
          %get3A_80 = arith.index_cast %add3A_75 : i32 to index
          %get3A_81 = tpu.vector_load %arg10[%get3A_80] {strides = array<i32>} : memref<544xi32, #tpu.memory_space<vmem>>, vector<16xi32>,
          %add3A_82 = arith.constant 0 : i32
          %add3A_83 = arith.addi %add3A_75, %add3A_82 : i32
          %lt3A_84 = arith.cmpi slt, %add3A_83, %scan3A_9 : i32
          %convert_element_type3A_85 = arith.extui %lt3A_84 : i1 to i32
          %cond3A_86 = arith.constant 0 : i32
          %cond3A_87 = arith.cmpi ne, %convert_element_type3A_85, %cond3A_86 : i32
          scf.if %cond3A_87 {
            %slice3A_100 = vector.extract_strided_slice %get3A_81 {offsets = [0], sizes = [1], strides = [1]} : vector<16xi32> to vector<1xi32>
            %squeeze3A_101 = vector.extract %slice3A_100[0] : i32 from vector<1xi32>
            %mul3A_102 = arith.constant 128 : i32
            %mul3A_103 = arith.muli %squeeze3A_101, %mul3A_102 : i32
            %multiple_of3A = tpu.assume_multiple %mul3A_103, 128 : i32
            %dma_start3A = arith.constant 1 : i32
            %dma_start3A_104 = arith.constant 0 : i32
            %dma_start3A_105 = arith.constant 0 : i32
            %dma_start3A_106 = arith.constant 0 : i32
            %dma_start3A_107 = tpu.memref_slice %arg12[%dma_start3A, %dma_start3A_104, %dma_start3A_105, %dma_start3A_106] : memref<2x3x64x128xf32, #tpu.memory_space<vmem>> -> memref<1x1x64x128xf32, #tpu.memory_space<vmem>>
            %dma_start3A_108 = tpu.memref_squeeze %dma_start3A_107 : memref<1x1x64x128xf32, #tpu.memory_space<vmem>> -> memref<64x128xf32, #tpu.memory_space<vmem>>
            %dma_start3A_109 = arith.constant 0 : i32
            %dma_start3A_110 = tpu.memref_slice %arg2[%dma_start3A_109, %multiple_of3A] : memref<64x1000000xf32, #tpu.memory_space<hbm>> -> memref<64x128xf32, #tpu.memory_space<hbm>>
            %dma_start3A_111 = arith.constant 0 : i32
            %dma_start3A_112 = arith.constant 0 : i32
            %dma_start3A_113 = tpu.memref_slice %arg12[%dma_start3A, %dma_start3A_104, %dma_start3A_111, %dma_start3A_112] : memref<2x3x64x128xf32, #tpu.memory_space<vmem>> -> memref<1x1x64x128xf32, #tpu.memory_space<vmem>>
            %dma_start3A_114 = tpu.memref_squeeze %dma_start3A_113 : memref<1x1x64x128xf32, #tpu.memory_space<vmem>> -> memref<64x128xf32, #tpu.memory_space<vmem>>
            %dma_start3A_115 = arith.constant 0 : i32
            %dma_start3A_116 = tpu.memref_slice %arg2[%dma_start3A_115, %multiple_of3A] : memref<64x1000000xf32, #tpu.memory_space<hbm>> -> memref<64x128xf32, #tpu.memory_space<hbm>>
            tpu.enqueue_dma source(%dma_start3A_116 : memref<64x128xf32, #tpu.memory_space<hbm>>) target(%dma_start3A_114 : memref<64x128xf32, #tpu.memory_space<vmem>>) target_semaphore(%arg15 : memref<!tpu.dma_semaphore, #tpu.memory_space<semaphore_mem>>)
          } else {
          }
          %add3A_88 = arith.constant 1 : i32
          %add3A_89 = arith.addi %add3A_75, %add3A_88 : i32
          %lt3A_90 = arith.cmpi slt, %add3A_89, %scan3A_9 : i32
          %convert_element_type3A_91 = arith.extui %lt3A_90 : i1 to i32
          %cond3A_92 = arith.constant 0 : i32
          %cond3A_93 = arith.cmpi ne, %convert_element_type3A_91, %cond3A_92 : i32
          scf.if %cond3A_93 {
            %slice3A_100 = vector.extract_strided_slice %get3A_81 {offsets = [1], sizes = [1], strides = [1]} : vector<16xi32> to vector<1xi32>
            %squeeze3A_101 = vector.extract %slice3A_100[0] : i32 from vector<1xi32>
            %mul3A_102 = arith.constant 128 : i32
            %mul3A_103 = arith.muli %squeeze3A_101, %mul3A_102 : i32
            %multiple_of3A = tpu.assume_multiple %mul3A_103, 128 : i32
            %dma_start3A = arith.constant 1 : i32
            %dma_start3A_104 = arith.constant 1 : i32
            %dma_start3A_105 = arith.constant 0 : i32
            %dma_start3A_106 = arith.constant 0 : i32
            %dma_start3A_107 = tpu.memref_slice %arg12[%dma_start3A, %dma_start3A_104, %dma_start3A_105, %dma_start3A_106] : memref<2x3x64x128xf32, #tpu.memory_space<vmem>> -> memref<1x1x64x128xf32, #tpu.memory_space<vmem>>
            %dma_start3A_108 = tpu.memref_squeeze %dma_start3A_107 : memref<1x1x64x128xf32, #tpu.memory_space<vmem>> -> memref<64x128xf32, #tpu.memory_space<vmem>>
            %dma_start3A_109 = arith.constant 0 : i32
            %dma_start3A_110 = tpu.memref_slice %arg2[%dma_start3A_109, %multiple_of3A] : memref<64x1000000xf32, #tpu.memory_space<hbm>> -> memref<64x128xf32, #tpu.memory_space<hbm>>
            %dma_start3A_111 = arith.constant 0 : i32
            %dma_start3A_112 = arith.constant 0 : i32
            %dma_start3A_113 = tpu.memref_slice %arg12[%dma_start3A, %dma_start3A_104, %dma_start3A_111, %dma_start3A_112] : memref<2x3x64x128xf32, #tpu.memory_space<vmem>> -> memref<1x1x64x128xf32, #tpu.memory_space<vmem>>
            %dma_start3A_114 = tpu.memref_squeeze %dma_start3A_113 : memref<1x1x64x128xf32, #tpu.memory_space<vmem>> -> memref<64x128xf32, #tpu.memory_space<vmem>>
            %dma_start3A_115 = arith.constant 0 : i32
            %dma_start3A_116 = tpu.memref_slice %arg2[%dma_start3A_115, %multiple_of3A] : memref<64x1000000xf32, #tpu.memory_space<hbm>> -> memref<64x128xf32, #tpu.memory_space<hbm>>
            tpu.enqueue_dma source(%dma_start3A_116 : memref<64x128xf32, #tpu.memory_space<hbm>>) target(%dma_start3A_114 : memref<64x128xf32, #tpu.memory_space<vmem>>) target_semaphore(%arg15 : memref<!tpu.dma_semaphore, #tpu.memory_space<semaphore_mem>>)
          } else {
          }
          %add3A_94 = arith.constant 2 : i32
          %add3A_95 = arith.addi %add3A_75, %add3A_94 : i32
          %lt3A_96 = arith.cmpi slt, %add3A_95, %scan3A_9 : i32
          %convert_element_type3A_97 = arith.extui %lt3A_96 : i1 to i32
          %cond3A_98 = arith.constant 0 : i32
          %cond3A_99 = arith.cmpi ne, %convert_element_type3A_97, %cond3A_98 : i32
          scf.if %cond3A_99 {
            %slice3A_100 = vector.extract_strided_slice %get3A_81 {offsets = [2], sizes = [1], strides = [1]} : vector<16xi32> to vector<1xi32>
            %squeeze3A_101 = vector.extract %slice3A_100[0] : i32 from vector<1xi32>
            %mul3A_102 = arith.constant 128 : i32
            %mul3A_103 = arith.muli %squeeze3A_101, %mul3A_102 : i32
            %multiple_of3A = tpu.assume_multiple %mul3A_103, 128 : i32
            %dma_start3A = arith.constant 1 : i32
            %dma_start3A_104 = arith.constant 2 : i32
            %dma_start3A_105 = arith.constant 0 : i32
            %dma_start3A_106 = arith.constant 0 : i32
            %dma_start3A_107 = tpu.memref_slice %arg12[%dma_start3A, %dma_start3A_104, %dma_start3A_105, %dma_start3A_106] : memref<2x3x64x128xf32, #tpu.memory_space<vmem>> -> memref<1x1x64x128xf32, #tpu.memory_space<vmem>>
            %dma_start3A_108 = tpu.memref_squeeze %dma_start3A_107 : memref<1x1x64x128xf32, #tpu.memory_space<vmem>> -> memref<64x128xf32, #tpu.memory_space<vmem>>
            %dma_start3A_109 = arith.constant 0 : i32
            %dma_start3A_110 = tpu.memref_slice %arg2[%dma_start3A_109, %multiple_of3A] : memref<64x1000000xf32, #tpu.memory_space<hbm>> -> memref<64x128xf32, #tpu.memory_space<hbm>>
            %dma_start3A_111 = arith.constant 0 : i32
            %dma_start3A_112 = arith.constant 0 : i32
            %dma_start3A_113 = tpu.memref_slice %arg12[%dma_start3A, %dma_start3A_104, %dma_start3A_111, %dma_start3A_112] : memref<2x3x64x128xf32, #tpu.memory_space<vmem>> -> memref<1x1x64x128xf32, #tpu.memory_space<vmem>>
            %dma_start3A_114 = tpu.memref_squeeze %dma_start3A_113 : memref<1x1x64x128xf32, #tpu.memory_space<vmem>> -> memref<64x128xf32, #tpu.memory_space<vmem>>
            %dma_start3A_115 = arith.constant 0 : i32
            %dma_start3A_116 = tpu.memref_slice %arg2[%dma_start3A_115, %multiple_of3A] : memref<64x1000000xf32, #tpu.memory_space<hbm>> -> memref<64x128xf32, #tpu.memory_space<hbm>>
            tpu.enqueue_dma source(%dma_start3A_116 : memref<64x128xf32, #tpu.memory_space<hbm>>) target(%dma_start3A_114 : memref<64x128xf32, #tpu.memory_space<vmem>>) target_semaphore(%arg15 : memref<!tpu.dma_semaphore, #tpu.memory_space<semaphore_mem>>)
          } else {
          }
        } else {
        }
      } else {
      }
    }
    %scan3A_29 = arith.constant 86 : i32
    %scan3A_30 = arith.constant 0 : i32
    %scan3A_31 = arith.constant 0 : i32
    %scan3A_32 = arith.constant 512 : i32
    %scan3A_33 = arith.addi %scan3A_31, %scan3A_32 : i32
    %scan3A_34 = arith.constant 1 : i32
    scf.for %scan3A_36 = %scan3A_31 to %scan3A_33 step %scan3A_34  : i32 {
      %dma_wait3A = arith.constant 0 : i32
      %dma_wait3A_37 = tpu.memref_slice %arg13[%scan3A_36, %dma_wait3A] : memref<512x64xf32, #tpu.memory_space<vmem>> -> memref<1x64xf32, #tpu.memory_space<vmem>>
      %dma_wait3A_38 = arith.constant 0 : i32
      %dma_wait3A_39 = arith.constant 0 : i32
      %dma_wait3A_40 = tpu.memref_slice %arg5[%dma_wait3A_38, %dma_wait3A_39] : memref<16384x64xf32, #tpu.memory_space<hbm>> -> memref<1x64xf32, #tpu.memory_space<hbm>>
      %dma_wait3A_41 = arith.constant 0 : i32
      %dma_wait3A_42 = tpu.memref_slice %arg13[%scan3A_36, %dma_wait3A_41] : memref<512x64xf32, #tpu.memory_space<vmem>> -> memref<1x64xf32, #tpu.memory_space<vmem>>
      %dma_wait3A_43 = arith.constant 0 : i32
      %dma_wait3A_44 = arith.constant 0 : i32
      %dma_wait3A_45 = tpu.memref_slice %arg5[%dma_wait3A_43, %dma_wait3A_44] : memref<16384x64xf32, #tpu.memory_space<hbm>> -> memref<1x64xf32, #tpu.memory_space<hbm>>
      tpu.wait_dma2 semaphore(%arg16 : memref<!tpu.dma_semaphore, #tpu.memory_space<semaphore_mem>>) src(%dma_wait3A_45 : memref<1x64xf32, #tpu.memory_space<hbm>>) dst(%dma_wait3A_42 : memref<1x64xf32, #tpu.memory_space<vmem>>)
    }
    %scan3A_35 = arith.constant 512 : i32
    return
  }
}

module attributes {stable_mosaic.version = 14 : i64} {
  func.func @_mlp_body(%arg0: i32, %arg1: memref<8192x64xf32, #tpu.memory_space<vmem>>, %arg2: memref<64x64xf32, #tpu.memory_space<vmem>>, %arg3: memref<1x64xf32, #tpu.memory_space<vmem>>, %arg4: memref<64x64xf32, #tpu.memory_space<vmem>>, %arg5: memref<64x1xf32, #tpu.memory_space<vmem>>, %arg6: memref<64x8192xf32, #tpu.memory_space<vmem>>) attributes {dimension_semantics = [#tpu.dimension_semantics<arbitrary>], iteration_bounds = array<i64: 2>, scalar_prefetch = 0 : i64, scratch_operands = 0 : i64, tpu.core_type = #tpu.core_type<tc>, window_params = [{transform_indices = @transform_0, window_bounds = array<i64: 8192, 64>}, {pipeline_mode = #tpu.pipeline_mode<synchronous>, transform_indices = @transform_1, window_bounds = array<i64: 64, 64>}, {pipeline_mode = #tpu.pipeline_mode<synchronous>, transform_indices = @transform_2, window_bounds = array<i64: 1, 64>}, {pipeline_mode = #tpu.pipeline_mode<synchronous>, transform_indices = @transform_3, window_bounds = array<i64: 64, 64>}, {pipeline_mode = #tpu.pipeline_mode<synchronous>, transform_indices = @transform_4, window_bounds = array<i64: 64, 1>}, {transform_indices = @transform_5, window_bounds = array<i64: 64, 8192>}]} {
    %get3A = arith.constant 0 : index
    %get3A_0 = arith.constant 0 : index
    %get3A_1 = vector.load %arg1[%get3A, %get3A_0] : memref<8192x64xf32, #tpu.memory_space<vmem>>, vector<8192x64xf32>
    %get3A_2 = arith.constant 0 : index
    %get3A_3 = arith.constant 0 : index
    %get3A_4 = vector.load %arg2[%get3A_2, %get3A_3] : memref<64x64xf32, #tpu.memory_space<vmem>>, vector<64x64xf32>
    %dot_general3A = arith.constant dense<0.000000e+00> : vector<8192x64xf32>
    %dot_general3A_5 = tpu.matmul %get3A_1, %get3A_4, %dot_general3A {dimension_numbers = #tpu.dot_dimension_numbers<[1], [1], [0], [0], [0, 0, 1, 0], [], []>, transpose_lhs_hint = false} : vector<8192x64xf32>, vector<64x64xf32>, vector<8192x64xf32> -> vector<8192x64xf32>
    %get3A_6 = arith.constant 0 : index
    %get3A_7 = arith.constant 0 : index
    %get3A_8 = vector.load %arg3[%get3A_6, %get3A_7] : memref<1x64xf32, #tpu.memory_space<vmem>>, vector<1x64xf32>
    %add3A = vector.broadcast %get3A_8 : vector<1x64xf32> to vector<8192x64xf32>
    %add3A_9 = arith.addf %dot_general3A_5, %add3A : vector<8192x64xf32>
    %max3A = arith.constant 0.000000e+00 : f32
    %max3A_10 = vector.broadcast %max3A : f32 to vector<8192x64xf32>
    %max3A_11 = arith.maximumf %add3A_9, %max3A_10 : vector<8192x64xf32>
    %get3A_12 = arith.constant 0 : index
    %get3A_13 = arith.constant 0 : index
    %get3A_14 = vector.load %arg4[%get3A_12, %get3A_13] : memref<64x64xf32, #tpu.memory_space<vmem>>, vector<64x64xf32>
    %dot_general3A_15 = arith.constant dense<0.000000e+00> : vector<64x8192xf32>
    %dot_general3A_16 = tpu.matmul %get3A_14, %max3A_11, %dot_general3A_15 {dimension_numbers = #tpu.dot_dimension_numbers<[1], [1], [0], [0], [0, 0, 1, 0], [], []>, transpose_lhs_hint = false} : vector<64x64xf32>, vector<8192x64xf32>, vector<64x8192xf32> -> vector<64x8192xf32>
    %get3A_17 = arith.constant 0 : index
    %get3A_18 = arith.constant 0 : index
    %get3A_19 = vector.load %arg5[%get3A_17, %get3A_18] : memref<64x1xf32, #tpu.memory_space<vmem>>, vector<64x1xf32>
    %add3A_20 = vector.broadcast %get3A_19 : vector<64x1xf32> to vector<64x8192xf32>
    %add3A_21 = arith.addf %dot_general3A_16, %add3A_20 : vector<64x8192xf32>
    %swap3A = arith.constant 0 : index
    %swap3A_22 = arith.constant 0 : index
    %swap3A_23 = vector.load %arg6[%swap3A, %swap3A_22] : memref<64x8192xf32, #tpu.memory_space<vmem>>, vector<64x8192xf32>
    tpu.vector_store %arg6[%swap3A, %swap3A_22], %add3A_21 {strides = array<i32>} : memref<64x8192xf32, #tpu.memory_space<vmem>>, vector<64x8192xf32>,
    return
  }
  func.func @transform_0(%arg0: i32) -> (i32, i32) {
    %c0_i32 = arith.constant 0 : i32
    %c0_i32_0 = arith.constant 0 : i32
    return %arg0, %c0_i32 : i32, i32
  }
  func.func @transform_1(%arg0: i32) -> (i32, i32) {
    %c0_i32 = arith.constant 0 : i32
    %c0_i32_0 = arith.constant 0 : i32
    %c0_i32_1 = arith.constant 0 : i32
    return %c0_i32, %c0_i32_0 : i32, i32
  }
  func.func @transform_2(%arg0: i32) -> (i32, i32) {
    %c0_i32 = arith.constant 0 : i32
    %c0_i32_0 = arith.constant 0 : i32
    %c0_i32_1 = arith.constant 0 : i32
    return %c0_i32, %c0_i32_0 : i32, i32
  }
  func.func @transform_3(%arg0: i32) -> (i32, i32) {
    %c0_i32 = arith.constant 0 : i32
    %c0_i32_0 = arith.constant 0 : i32
    %c0_i32_1 = arith.constant 0 : i32
    return %c0_i32, %c0_i32_0 : i32, i32
  }
  func.func @transform_4(%arg0: i32) -> (i32, i32) {
    %c0_i32 = arith.constant 0 : i32
    %c0_i32_0 = arith.constant 0 : i32
    %c0_i32_1 = arith.constant 0 : i32
    return %c0_i32, %c0_i32_0 : i32, i32
  }
  func.func @transform_5(%arg0: i32) -> (i32, i32) {
    %c0_i32 = arith.constant 0 : i32
    %c0_i32_0 = arith.constant 0 : i32
    return %c0_i32, %arg0 : i32, i32
  }
}

</mosaic_0001>

<sc_bundles>
// kernel: kernel.4.cloned.1.call-start
scs
__scs_entry_jumppad:
0x0: {  	(pc) =	sbr.rel $0x88, $3  }
0x1: {  	(tag) =	ssettag $0x0;
	lr =	simm.s32 $0x1  }
0x2: {  	[smem:$0x3F9B] =	sst lr;
	_ =	strace $0xD0000000  }
0x3: {  	_ = 	snop  }
0x4: {  	_ = 	snop  }
0x5: {  	_ = 	snop  }
0x6: {  	_ = 	snop  }
0x7: {  	_ = 	snop  }
__scs_overlays_trampoline_lowered:
0x8: {  	[smem:$0x3FAA] =	sst s0  }
0x9: {  	[smem:$0x3FAB] =	sst s1  }
0xa: {  	[smem:$0x3FAC] =	sst s2  }
0xb: {  	[smem:$0x3FAD] =	sst s3  }
0xc: {  	[smem:$0x3FAE] =	sst s4  }
0xd: {  	[smem:$0x3FAF] =	sst s5  }
0xe: {  	[smem:$0x3FB0] =	sst s6  }
0xf: {  	[smem:$0x3FB1] =	sst s7  }
0x10: {  	[smem:$0x3FB2] =	sst s8  }
0x11: {  	[smem:$0x3FB3] =	sst s9;
	s0 =	simm.s32 @!p0 $0x0  }
0x12: {  	s1 =	sld [smem:$0x3F99];
	s0 =	simm.s32 @p0 $0x1  }
0x13: {  	[smem:$0x3FB4] =	sst s0;
	s0 =	simm.s32 @!p1 $0x0  }
0x14: {  	s2 =	sld [smem:$0x3F98];
	s0 =	simm.s32 @p1 $0x1  }
0x15: {  	[smem:$0x3FB5] =	sst s0;
	s0 =	simm.s32 @!p2 $0x0  }
0x16: {  	s3 =	sld [smem:$0x3FDB];
	s0 =	simm.s32 @p2 $0x1  }
0x17: {  	s4 =	simm.s32 $0x1BF5;
	[smem:$0x3FB7] =	sst s0  }
0x18: {  	s0 =	sld [smem:$0x3F9A];
	_ =	swait.ge [sflag:s4], $0x0  }
0x19: {  	s7 =	sld [smem:$0x3F9B]  }
0x1a: {  	s8 =	sadd.s32 $0xFFFFE003, lr  }
0x1b: {  	s9 =	sadd.s32 $0xFFFFFEF7, lr;
	s5 =	simm.s32 $0xFFFFFFFF;
	p2 =	slt.u32 s8, $0xFFFFF086  }
0x1c: {  	p1 =	slt.u32 s9, $0xF7A;
	s5 =	simm.s32 @!p2 $0x0  }
0x1d: {  	s5 =	simm.s32 @p1 $0x1;
	p0 =	seq.s32 s7, s2  }
0x1e: {  	s7 =	smul.u32 @!p0 $0xF7A, s2;
	p2 =	seq.s32 @!p0 s5, $0x0  }
0x1f: {  	s9 =	smul.u32 $0xF7A, s1;
	s8 =	simm.s32 @!p0 $0x1BF5;
	p2 =	por !p2, p0  }
0x20: {  	[sflag:s8] =	ssyncset.s32 @!p0 $0xFFFFF086;
	s6 =	sadd.s32 @!p0 s3, s7;
	s7 =	simm.s32 @!p0 $0x108  }
0x21: {  	s3 =	sadd.s32 s3, s9;
	s6 =	sadd.s32 @!p0 $0x88, s6;
	s7 =	simm.s32 @p2 $0x1082  }
0x22: {  	[simem:s7], [sflag:s8] =	dma.local @!p0 [hbm:s6], $0xF7A  }
0x23: {  	s9 =	sor.u32 $0xD0000000, s2;
	s6 =	simm.s32 $0x108;
	_ =	swait.ge @!p0 [sflag:s8], $0x0  }
0x24: {  	s3 =	sadd.s32 $0x88, s3;
	s6 =	simm.s32 @!p1 $0x1082;
	[sflag:s4] =	ssyncset.s32 $0xFFFFF086  }
0x25: {  	[simem:s6], [sflag:s4] =	dma.local [hbm:s3], $0xF7A  }
0x26: {  	[smem:$0x3F9B] =	sst s1;
	(tag) =	ssettag s2;
	_ =	strace s9  }
0x27: {  	s1 =	sld [smem:$0x3FAB]  }
0x28: {  	s2 =	sld [smem:$0x3FAC]  }
0x29: {  	s4 =	sld [smem:$0x3FAE]  }
0x2a: {  	p0 =	seq.s32 s5, $0x0;
	s5 =	sld [smem:$0x3FAF]  }
0x2b: {  	s6 =	sld [smem:$0x3FB0]  }
0x2c: {  	s7 =	sld [smem:$0x3FB1]  }
0x2d: {  	s3 =	simm.s32 $0x108;
	s8 =	sld [smem:$0x3FB2]  }
0x2e: {  	s3 =	simm.s32 @!p0 $0x1082;
	s9 =	sld [smem:$0x3FB3]  }
0x2f: {  	lr =	sadd.s32 s0, s3;
	s0 =	sld [smem:$0x3FAA]  }
0x30: {  	s3 =	sld [smem:$0x3FAD]  }
0x31: {  	[smem:$0x3FB6] =	sst s10  }
0x32: {  	s10 =	sld [smem:$0x3FB4];
	_ =	sdelay $0x3  }
0x33: {  	p0 =	seq.s32 s10, $0x1;
	s10 =	sld [smem:$0x3FB6];
	_ =	sdelay $0x3  }
0x34: {  	[smem:$0x3FB6] =	sst s10  }
0x35: {  	s10 =	sld [smem:$0x3FB5];
	_ =	sdelay $0x3  }
0x36: {  	p1 =	seq.s32 s10, $0x1;
	s10 =	sld [smem:$0x3FB6];
	_ =	sdelay $0x3  }
0x37: {  	[smem:$0x3FB6] =	sst s10  }
0x38: {  	s10 =	sld [smem:$0x3FB7]  }
0x39: {  	_ = 	snop;
	(pc) =	sbr.ind lr, $3  }
0x3a: {  	_ = 	snop  }
0x3b: {  	_ = 	snop  }
0x3c: {  	p2 =	seq.s32 s10, $0x1;
	s10 =	sld [smem:$0x3FB6]  }
0x3d: {  	_ =	shalt  }
0x3e: {  	_ =	shalt  }
0x3f: {  	_ =	shalt  }
0x40: {  	_ =	shalt  }
0x41: {  	_ =	shalt  }
0x42: {  	_ =	shalt  }
0x43: {  	_ =	shalt  }
0x44: {  	_ =	shalt  }
0x45: {  	_ =	shalt  }
0x46: {  	_ =	shalt  }
0x47: {  	_ =	shalt  }
0x48: {  	_ =	shalt  }
0x49: {  	_ =	shalt  }
0x4a: {  	_ =	shalt  }
0x4b: {  	_ =	shalt  }
0x4c: {  	_ =	shalt  }
0x4d: {  	_ =	shalt  }
0x4e: {  	_ =	shalt  }
0x4f: {  	_ =	shalt  }
0x50: {  	_ =	shalt  }
0x51: {  	_ =	shalt  }
0x52: {  	_ =	shalt  }
0x53: {  	_ =	shalt  }
0x54: {  	_ =	shalt  }
0x55: {  	_ =	shalt  }
0x56: {  	_ =	shalt  }
0x57: {  	_ =	shalt  }
0x58: {  	_ =	shalt  }
0x59: {  	_ =	shalt  }
0x5a: {  	_ =	shalt  }
0x5b: {  	_ =	shalt  }
0x5c: {  	_ =	shalt  }
0x5d: {  	_ =	shalt  }
0x5e: {  	_ =	shalt  }
0x5f: {  	_ =	shalt  }
0x60: {  	_ =	shalt  }
0x61: {  	_ =	shalt  }
0x62: {  	_ =	shalt  }
0x63: {  	_ =	shalt  }
0x64: {  	_ =	shalt  }
0x65: {  	_ =	shalt  }
0x66: {  	_ =	shalt  }
0x67: {  	_ =	shalt  }
0x68: {  	_ =	shalt  }
0x69: {  	_ =	shalt  }
0x6a: {  	_ =	shalt  }
0x6b: {  	_ =	shalt  }
0x6c: {  	_ =	shalt  }
0x6d: {  	_ =	shalt  }
0x6e: {  	_ =	shalt  }
0x6f: {  	_ =	shalt  }
0x70: {  	_ =	shalt  }
0x71: {  	_ =	shalt  }
0x72: {  	_ =	shalt  }
0x73: {  	_ =	shalt  }
0x74: {  	_ =	shalt  }
0x75: {  	_ =	shalt  }
0x76: {  	_ =	shalt  }
0x77: {  	_ =	shalt  }
0x78: {  	_ =	shalt  }
0x79: {  	_ =	shalt  }
0x7a: {  	_ =	shalt  }
0x7b: {  	_ =	shalt  }
0x7c: {  	_ =	shalt  }
0x7d: {  	_ =	shalt  }
0x7e: {  	_ =	shalt  }
0x7f: {  	_ =	shalt  }
0x80: {  	_ =	shalt  }
0x81: {  	_ =	shalt  }
0x82: {  	_ =	shalt  }
0x83: {  	_ =	shalt  }
0x84: {  	_ =	shalt  }
0x85: {  	_ =	shalt  }
0x86: {  	_ =	shalt  }
0x87: {  	_ =	shalt  }
.Lfunc_end0:
.L_simem_size_0:
called_computation_lowered:
.L_overlay_start_0:
0x88: {  	s2 =	sld [smem:$0x3FD9]  }
0x89: {  	s3 =	sld [smem:$0x3FFE];
	_ =	sdelay $0x1  }
0x8a: {  	s1 =	srdreg.scid  }
0x8b: {  	s0 =	sand.u32 $0x1, s1  }
0x8c: {  	s17 =	sshll.u32 s0, $0xA;
	s2 =	sadd.s32 s3, s2  }
0x8d: {  	s2 =	sadd.s32 s2, s17  }
0x8e: {  	[smem:$0x3FC2] =	sst s2  }
0x8f: {  	_ = 	snop  }
0x90: {  	s2 =	sld [smem:$0x3FC8]  }
0x91: {  	s18 =	sld [smem:$0x3FD0];
	(tm) =	ssettm $0x1  }
0x92: {  	s4 =	sld [smem:$0x3FFB];
	_ =	sdelay $0x3  }
0x93: {  	_ =	strace s4  }
0x94: {  	s4 =	sld [smem:$0x3FFC];
	_ =	sdelay $0x3  }
0x95: {  	_ =	strace s4  }
0x96: {  	s4 =	sld [smem:$0x3FFD];
	_ =	sdelay $0x3  }
0x97: {  	_ =	strace s4  }
0x98: {  	_ =	strace $0x8FFFFFFF  }
0x99: {  	s19 =	sld [smem:$0x3FDB];
	_ =	sdelay $0x1  }
0x9a: {  	s5 =	simm.s32 $_scs_section_size  }
0x9b: {  	s6 =	simm.s32 $_size__tile_overlayer_lowered;
	s7 =	simm.s32 $_tile_overlayer_lowered  }
0x9c: {  	s22 =	simm.s32 $0x1BFF;
	s21 =	sshll.u32 s7, $0x1;
	s4 =	sadd.s32 s5, s19  }
0x9d: {  	s8 =	simm.s32 $0x0;
	s20 =	sshll.u32 s6, $0x1;
	s6 =	sadd.s32 s21, s4  }
0x9e: {  	[timem:s8], [sflag:s22] =	dma.local [hbm:s6], s20  }
0x9f: {  	_ =	swait.ge [sflag:s22], s20  }
0xa0: {  	s5 =	ssub.s32 $0x0, s20;
	[sflag:s22] =	ssyncset.done $0x0  }
0xa1: {  	[sflag:s22] =	ssyncadd.s32 s5;
	_ =	sdelay $0x1  }
0xa2: {  	s23 =	simm.s32 $0x1B8B  }
0xa3: {  	_ =	swait.ge [sflag:s23], $0x1  }
0xa4: {  	[sflag:s23] =	ssyncset.done $0x0  }
0xa5: {  	s25 =	simm.s32 $0x1B8E;
	s24 =	sld [smem:$0x3FFE];
	[sflag:s23] =	ssyncadd.s32 $0xFFFFFFFF  }
0xa6: {  	s26 =	simm.s32 $execute0_lowered;
	[smem:$0x3FD2] =	sst s25  }
0xa7: {  	s6 =	sshll.u32 s26, $0x1;
	_ =	strace $0x80000046;
	[dreg:$0x1] =	wrdreg $0xFFFFFFFF  }
0xa8: {  	s28 =	simm.s32 $_size_execute0_lowered;
	s4 =	sadd.s32 s4, s6;
	[dreg:$0x0] =	wrdreg $0x0  }
0xa9: {  	s6 =	sshll.u32 s28, $0x1;
	[dreg:$0x2] =	wrdreg s4  }
0xaa: {  	[dreg:$0x3] =	wrdreg s6  }
0xab: {  	[dreg:$0x4] =	wrdreg $0xC0  }
0xac: {  	_ =	task [dreg:s8], $0x5FFFF  }
0xad: {  	[dreg:$0x1] =	wrdreg $0xFFFFFFFF  }
0xae: {  	[dreg:$0x0] =	wrdreg $0x60  }
0xaf: {  	[dreg:$0x2] =	wrdreg s2  }
0xb0: {  	[dreg:$0x3] =	wrdreg s18  }
0xb1: {  	[dreg:$0x4] =	wrdreg s24  }
0xb2: {  	[dreg:$0x5] =	wrdreg $0x9  }
0xb3: {  	_ =	task.clear_ibuf [dreg:s8], $0x6FFFF;
	_ =	strace $0x90000046  }
0xb4: {  	s29 =	simm.s32 $0x9;
	_ =	strace $0x80000048  }
0xb5: {  	_ =	swait.ge [sflag:s29], $0x1  }
0xb6: {  	[sflag:s29] =	ssyncadd.s32 $0xFFFFFFFF  }
0xb7: {  	_ =	strace $0x90000048  }
0xb8: {  	_ =	sfence  }
0xb9: {  	s30 =	sld [smem:$0x0];
	_ =	sdelay $0x2  }
0xba: {  	s31 =	sshll.u32 s1, $0xD;
	s1 =	sshrl.u32 s1, $0x2  }
0xbb: {  	s3 =	sand.u32 $0x4000, s31;
	s1 =	sadd.s32 s1, s30  }
0xbc: {  	s0 =	sor.u32 s3, s0;
	s1 =	sshll.u32 s1, $0x11  }
0xbd: {  	s0 =	sor.u32 s1, s0  }
0xbe: {  	s0 =	sadd.s32 $0x8F2B, s0  }
0xbf: {  	[sflag:s0] =	ssyncadd.remote.s32 $0x1  }
0xc0: {  	_ =	sfence.sel $0xFFFF  }
0xc1: {  	[dreg:$0x0] =	wrdreg $0xFFFFFFFF;
	(pc) =	sbr.abs _section_cstart, $3  }
0xc2: {  	[dreg:$0x1] =	wrdreg $0xFFFFFFFF  }
0xc3: {  	_ =	task.clear_ibuf [dreg:s8], $0x2FFFF;
	_ =	strace $0x9FFFFFFF  }
0xc4: {  	(tm) =	ssettm $0x7FFFFFFF  }
0xc5: {  	_ =	shalt  }
tec
execute0_lowered:
.L_overlay_start_1:
0x0: {  	(tag) =	ssettag $0x1  }
0x1: {  	s1 =	rddreg [dreg:$0x0]  }
0x2: {  	s5 =	rddreg [dreg:$0x1]  }
0x3: {  	s6 =	rddreg [dreg:$0x2];
	s3 =	simm.s32 $0x0;
	s4 =	srdreg.scid  }
0x4: {  	s2 =	stileid.u32;
	s10 =	simm.s32 $0x400;
	s11 =	simm.s32 $0x7A1400  }
0x5: {  	s12 =	simm.s32 $0x4F00;
	s13 =	simm.s32 $0x1;
	s14 =	simm.s32 $0xF00  }
0x6: {  	s15 =	simm.s32 $0x2;
	s16 =	simm.s32 $0x3;
	s17 =	simm.s32 $0x0  }
0x7: {  	[smem:$0x7FF] =	sst s3;
	s4 =	sand.u32 $0x1, s4;
	s8 =	sshll.u32 s2, $0x7  }
0x8: {  	v0 =	vlaneseq.u32;
	s7 =	ssub.s32 $0x2, s4;
	s4 =	sshll.u32 s4, $0x6;
	_ =	strace $0x80000047  }
0x9: {  	v1 =	vmul.u32 $0x80, v0;
	s9 =	sshrl.u32 s7, $0x1;
	s8 =	sor.u32 s4, s8;
	s4 =	sadd.s32 $0x800, s6  }
0xa: {  	v2 =	vimm.s32 $0xFFFFFFFF;
	v3 =	vimm.s32 $0x0;
	v4 =	vimm.s32 $0x200;
	s7 =	ssub.s32 s7, s9;
	s5 =	sadd.s32 s5, s8;
	s6 =	sadd.s32 s6, s8  }
0xb: {  	v5 =	vor.u32 $0x800, v1;
	v6 =	vor.u32 $0x1000, v1;
	v7 =	vor.u32 $0x1800, v1;
	s8 =	simm.s32 $0x4;
	s9 =	simm.s32 $0x280;
	s7 =	smax.u32 s7, $0x1  }
.LBB2_1:
0xc: {  	[tilespmem:s3], [sflag:$0x4] =	stream.linear.gather [hbm4b:s5+s3], $0x200, $0x38;
	[tilespmem:$0x1CF00] =	vst v63  }
0xd: {  	_ =	swait.ge [sflag:s8], $0x200  }
0xe: {  	[sflag:s8] =	ssyncset.done $0x0  }
0xf: {  	[sflag:s8] =	ssyncadd.s32 $0xFFFFFE00  }
0x10: {  	[tilespmem:s9], [sflag:$0x4] =	stream.linear.gather [hbm4b:s6+s3], $0x200, $0x38;
	[tilespmem:$0x1CF00] =	vst v63  }
0x11: {  	_ =	swait.ge [sflag:s8], $0x200  }
0x12: {  	[sflag:s8] =	ssyncset.done $0x0  }
0x13: {  	[sflag:s8] =	ssyncadd.s32 $0xFFFFFE00  }
0x14: {  	[tilespmem:$0x500] =	vst v2  }
0x15: {  	s19 =	simm.s32 $0x501;
	v8 =	vld [tilespmem:s3+$0x0]  }
0x16: {  	v9 =	vld [tilespmem:s19+$0xFFFFFFFF];
	_ =	sdelay $0x3  }
0x17: {  	v8 =	vshrl.u32 v8, $0x7  }
0x18: {  	vm0 =	vne.s32 v8, v9  }
0x19: {  	v9 =	vsel vm0, $0x1, v3  }
0x1a: {  	(xrf0) =	vadd.scan.msk.s32 $0xffff, v9;
	_ =	sdelay $0x5  }
0x1b: {  	s20 =	simm.s32 $0xFFFFFFFF;
	v9, _, _ =	vpop (xrf0)  }
0x1c: {  	s18 =	simm.s32 $0x780;
	[tilespmem:s19+$0x0] =	vst v8;
	v10 =	vadd.s32 s20, v9;
	(v2sf) =	vpush v9, $0xF  }
0x1d: {  	[tilespmem:s18+$0x0] =	vst v10  }
0x1e: {  	[tilespmem:s3+$0xA00] =	vst.msk vm0, v8;
	v8 =	vor.u32 s3, v0  }
0x1f: {  	s22 =	simm.s32 $0x20;
	s19 =	simm.s32 $0x10;
	[tilespmem:s3+$0xC80] =	vst.msk vm0, v8  }
0x20: {  	s21 =	simm.s32 $0x0;
	s23 =	simm.s32 $0x10;
	s20 =	simm.s32 $0x511;
	v8 =	vld [tilespmem:s19+$0x0]  }
.LBB2_2:
0x21: {  	p0 =	sne.s32 s22, $0x1F0;
	v9 =	vld [tilespmem:s20+$0xFFFFFFFF];
	_ =	sdelay $0x3  }
0x22: {  	v8 =	vshrl.u32 v8, $0x7  }
0x23: {  	[tilespmem:s20+$0x0] =	vst v8;
	vm0 =	vne.s32 v8, v9  }
0x24: {  	v9 =	vsel vm0, $0x1, v3  }
0x25: {  	(xrf0) =	vadd.scan.msk.s32 $0xffff, v9;
	_ =	sdelay $0x2  }
0x26: {  	s24 =	spop (v2sf)  }
0x27: {  	s21 =	sadd.s32 s21, s24  }
0x28: {  	s24 =	sadd.s32 $0xFFFFFFFF, s21  }
0x29: {  	v9, _, _ =	vpop (xrf0)  }
.Ltmp0:
0x2a: {  	s18 =	sadd.s32 $0x10, s18;
	v10 =	vadd.s32 s24, v9;
	(v2sf) =	vpush v9, $0xF;
	(pc) =	sbr.rel @p0 .LBB2_2-.Ltmp0, $4  }
0x2b: {  	[tilespmem:s18+$0x0] =	vst v10  }
0x2c: {  	[tilespmem:s21+$0xA00] =	vst.msk vm0, v8;
	v8 =	vor.u32 s19, v0;
	s19 =	smov.u32 s22  }
0x2d: {  	s23 =	sadd.s32 $0x10, s23;
	[tilespmem:s21+$0xC80] =	vst.msk vm0, v8  }
0x2e: {  	s20 =	sadd.s32 $0x10, s20;
	s22 =	sadd.s32 $0x10, s22;
	v8 =	vld [tilespmem:s23+$0x0]  }
0x2f: {  	v9 =	vld [tilespmem:s20+$0xFFFFFFFF];
	_ =	sdelay $0x3  }
0x30: {  	v8 =	vshrl.u32 v8, $0x7  }
0x31: {  	vm0 =	vne.s32 v8, v9  }
0x32: {  	v9 =	vsel vm0, $0x1, v3  }
0x33: {  	(xrf0) =	vadd.scan.msk.s32 $0xffff, v9;
	_ =	sdelay $0x5  }
0x34: {  	v9, _, _ =	vpop (xrf0)  }
0x35: {  	(v2sf) =	vpush v9, $0xF;
	_ =	sdelay $0x9  }
0x36: {  	s22 =	spop (v2sf)  }
0x37: {  	s21 =	sadd.s32 s21, s22  }
0x38: {  	s22 =	sadd.s32 $0xFFFFFFFF, s21  }
0x39: {  	s18 =	sadd.s32 $0x10, s18;
	[tilespmem:s20+$0x0] =	vst v8;
	v9 =	vadd.s32 s22, v9  }
0x3a: {  	[tilespmem:s18+$0x0] =	vst v9  }
0x3b: {  	[tilespmem:s21+$0xA00] =	vst.msk vm0, v8;
	v8 =	vor.u32 s19, v0;
	s31 =	spop (v2sf)  }
0x3c: {  	[tilespmem:s21+$0xC80] =	vst.msk vm0, v8;
	s18 =	sadd.s32 s21, s31  }
0x3d: {  	[tilespmem:s18+$0xC80] =	vst v4;
	p1 =	slt.s32 s18, $0x1  }
0x3e: {  	v8 =	vld @!p1 [tilespmem:$0xA00];
	_ =	sdelay $0x4  }
0x3f: {  	(v2sf) =	vpush @!p1 v8, $0x0;
	_ =	sdelay $0x2  }
0x40: {  	p0 =	seq.s32 @!p1 s18, $0x1  }
0x41: {  	p0 =	por p1, p0  }
0x42: {  	(v2sf) =	vpush @!p0 v8, $0x1;
	_ =	sdelay $0x9  }
0x43: {  	s19 =	spop @!p1 (v2sf)  }
0x44: {  	s19 =	sshll.u32 @!p1 s19, $0x7  }
0x45: {  	s20 =	simm.s32 @!p1 $0x400;
	s19 =	sand.u32 @!p1 $0x1FFFFF80, s19  }
0x46: {  	s21 =	simm.s32 @!p1 $0x7A1400;
	s22 =	simm.s32 @!p1 $0xF00;
	s19 =	sadd.s32 @!p1 s1, s19  }
0x47: {  	[tilespmem:s22], [sflag:$0x1] =	stream.strided.gather @!p1 [hbm4b:s19+s20], $0x2000, s21, s20, $0x38;
	[tilespmem:$0x1CF00] =	vst v63  }
0x48: {  	s19 =	spop @!p0 (v2sf)  }
0x49: {  	s20 =	simm.s32 @!p0 $0x400;
	s19 =	sshll.u32 @!p0 s19, $0x7  }
0x4a: {  	s21 =	simm.s32 @!p0 $0x7A1400;
	s19 =	sand.u32 @!p0 $0x1FFFFF80, s19  }
0x4b: {  	s22 =	simm.s32 @!p0 $0x2F00;
	p1 =	slt.u32 @!p0 s18, $0x3;
	s19 =	sadd.s32 @!p0 s1, s19  }
0x4c: {  	[tilespmem:s22], [sflag:$0x1] =	stream.strided.gather @!p0 [hbm4b:s19+s20], $0x2000, s21, s20, $0x38;
	[tilespmem:$0x1CF00] =	vst v63  }
0x4d: {  	p0 =	por p0, p1  }
.Ltmp1:
0x4e: {  	_ = 	snop;
	(pc) =	sbr.rel @p0 .LBB2_5-.Ltmp1, $1  }
0x4f: {  	_ =	sdelay $0x3  }
0x50: {  	(v2sf) =	vpush v8, $0x2;
	_ =	sdelay $0xe  }
0x51: {  	s19 =	spop (v2sf)  }
0x52: {  	s19 =	sshll.u32 s19, $0x7  }
0x53: {  	s19 =	sand.u32 $0x1FFFFF80, s19  }
0x54: {  	p2 =	seq.s32 s18, $0x3;
	s19 =	sadd.s32 s1, s19  }
0x55: {  	[tilespmem:s12], [sflag:$0x1] =	stream.strided.gather [hbm4b:s19+s10], $0x2000, s11, s10, $0x38;
	[tilespmem:$0x1CF00] =	vst v63  }
0x56: {  	v8 =	vld @!p2 [tilespmem:$0xA03];
	_ =	sdelay $0x4  }
0x57: {  	(v2sf) =	vpush @!p2 v8, $0x0;
	_ =	sdelay $0x2  }
0x58: {  	p0 =	seq.s32 @!p2 s18, $0x4  }
0x59: {  	p1 =	por p0, p2  }
0x5a: {  	(v2sf) =	vpush @!p1 v8, $0x1;
	_ =	sdelay $0x1  }
0x5b: {  	p3 =	slt.u32 @!p1 s18, $0x6  }
0x5c: {  	p0 =	por @!p2 p3, p0  }
0x5d: {  	p0 =	por p0, p2  }
0x5e: {  	(v2sf) =	vpush @!p0 v8, $0x2;
	_ =	sdelay $0x4  }
0x5f: {  	s19 =	spop @!p2 (v2sf)  }
0x60: {  	s19 =	sshll.u32 @!p2 s19, $0x7  }
0x61: {  	s20 =	simm.s32 @!p2 $0x400;
	s19 =	sand.u32 @!p2 $0x1FFFFF80, s19  }
0x62: {  	s21 =	simm.s32 @!p2 $0x7A1400;
	s22 =	simm.s32 @!p2 $0x6F00;
	s19 =	sadd.s32 @!p2 s1, s19  }
0x63: {  	[tilespmem:s22], [sflag:$0x2] =	stream.strided.gather @!p2 [hbm4b:s19+s20], $0x2000, s21, s20, $0x38;
	[tilespmem:$0x1CF00] =	vst v63  }
0x64: {  	s19 =	spop @!p1 (v2sf)  }
0x65: {  	s19 =	sshll.u32 @!p1 s19, $0x7  }
0x66: {  	s20 =	simm.s32 @!p1 $0x400;
	s19 =	sand.u32 @!p1 $0x1FFFFF80, s19  }
0x67: {  	s21 =	simm.s32 @!p1 $0x7A1400;
	s22 =	simm.s32 @!p1 $0x8F00;
	s19 =	sadd.s32 @!p1 s1, s19  }
0x68: {  	[tilespmem:s22], [sflag:$0x2] =	stream.strided.gather @!p1 [hbm4b:s19+s20], $0x2000, s21, s20, $0x38;
	[tilespmem:$0x1CF00] =	vst v63  }
0x69: {  	s19 =	spop @!p0 (v2sf)  }
0x6a: {  	s19 =	sshll.u32 @!p0 s19, $0x7  }
0x6b: {  	s20 =	simm.s32 @!p0 $0x400;
	s19 =	sand.u32 @!p0 $0x1FFFFF80, s19  }
0x6c: {  	s21 =	simm.s32 @!p0 $0x7A1400;
	s22 =	simm.s32 @!p0 $0xAF00;
	s19 =	sadd.s32 @!p0 s1, s19  }
0x6d: {  	[tilespmem:s22], [sflag:$0x2] =	stream.strided.gather @!p0 [hbm4b:s19+s20], $0x2000, s21, s20, $0x38;
	[tilespmem:$0x1CF00] =	vst v63  }
.LBB2_5:
.Ltmp2:
0x6e: {  	(pc) =	sbr.rel .LBB2_6-.Ltmp2, $2  }
0x6f: {  	_ =	sdelay $0x2  }
0x70: {  	s19 =	sadd.s32 $0xFFFFFFF9, s18;
	s20 =	sadd.s32 $0xFFFFFFF6, s18;
	s21 =	simm.s32 $0x0  }
.LBB2_17:
0x71: {  	[hbm4b:s31+s3] =	stream.linear.scatter [tilespmem:s24], [sflag:$0x3], $0x80, $0x38;
	[tilespmem:$0x1CF00] =	vst v63  }
.LBB2_18:
0x72: {  	s0 =	sadd.s32 $0x9, s22  }
0x73: {  	p2 =	sge.u32 s0, s18  }
0x74: {  	v8 =	vld @!p2 [tilespmem:s0+$0xA00];
	_ =	sdelay $0x4  }
0x75: {  	(v2sf) =	vpush @!p2 v8, $0x0;
	_ =	sdelay $0x2  }
0x76: {  	p0 =	sge.u32 @!p2 s22, s20  }
0x77: {  	p1 =	por p0, p2  }
0x78: {  	(v2sf) =	vpush @!p1 v8, $0x1;
	_ =	sdelay $0x1  }
0x79: {  	s0 =	sadd.s32 @!p2 $0xB, s22  }
0x7a: {  	p0 =	sge.u32 @!p2 s0, s18  }
0x7b: {  	p0 =	por p0, p2  }
0x7c: {  	(v2sf) =	vpush @!p0 v8, $0x2;
	_ =	sdelay $0x4  }
0x7d: {  	s0 =	spop @!p2 (v2sf)  }
0x7e: {  	s0 =	sshll.u32 @!p2 s0, $0x7  }
0x7f: {  	s22 =	simm.s32 @!p2 $0x400;
	s0 =	sand.u32 @!p2 $0x1FFFFF80, s0  }
0x80: {  	s23 =	simm.s32 @!p2 $0x7A1400;
	s24 =	simm.s32 @!p2 $0x6F00;
	s0 =	sadd.s32 @!p2 s1, s0  }
0x81: {  	[tilespmem:s24], [sflag:$0x2] =	stream.strided.gather @!p2 [hbm4b:s0+s22], $0x2000, s23, s22, $0x38;
	[tilespmem:$0x1CF00] =	vst v63  }
0x82: {  	s0 =	spop @!p1 (v2sf)  }
0x83: {  	s0 =	sshll.u32 @!p1 s0, $0x7  }
0x84: {  	s22 =	simm.s32 @!p1 $0x400;
	s0 =	sand.u32 @!p1 $0x1FFFFF80, s0  }
0x85: {  	s23 =	simm.s32 @!p1 $0x7A1400;
	s24 =	simm.s32 @!p1 $0x8F00;
	s0 =	sadd.s32 @!p1 s1, s0  }
0x86: {  	[tilespmem:s24], [sflag:$0x2] =	stream.strided.gather @!p1 [hbm4b:s0+s22], $0x2000, s23, s22, $0x38;
	[tilespmem:$0x1CF00] =	vst v63  }
0x87: {  	s0 =	spop @!p0 (v2sf)  }
0x88: {  	s0 =	sshll.u32 @!p0 s0, $0x7  }
0x89: {  	s22 =	simm.s32 @!p0 $0x400;
	s0 =	sand.u32 @!p0 $0x1FFFFF80, s0  }
0x8a: {  	s23 =	simm.s32 @!p0 $0x7A1400;
	s24 =	simm.s32 @!p0 $0xAF00;
	s0 =	sadd.s32 @!p0 s1, s0  }
0x8b: {  	[tilespmem:s24], [sflag:$0x2] =	stream.strided.gather @!p0 [hbm4b:s0+s22], $0x2000, s23, s22, $0x38;
	[tilespmem:$0x1CF00] =	vst v63  }
.LBB2_19:
0x8c: {  	s21 =	sadd.s32 $0x1, s21  }
0x8d: {  	p0 =	sne.s32 s21, $0x56  }
.Ltmp3:
0x8e: {  	_ = 	snop;
	(pc) =	sbr.rel @!p0 .LBB2_20-.Ltmp3, $1  }
0x8f: {  	_ =	sdelay $0x3  }
.LBB2_6:
0x90: {  	s22 =	smul.u32 $0x6, s21;
	_ =	sdelay $0x1  }
0x91: {  	p0 =	slt.s32 s22, s18  }
.Ltmp4:
0x92: {  	_ = 	snop;
	(pc) =	sbr.rel @!p0 .LBB2_7-.Ltmp4, $1  }
0x93: {  	_ =	sdelay $0x3  }
0x94: {  	_ =	swait.ge [sflag:s13], $0x2000;
	s23 =	sor.u32 $0x1, s22  }
0x95: {  	[sflag:s13] =	ssyncset.done $0x0;
	p0 =	sge.u32 s23, s18  }
0x96: {  	[sflag:s13] =	ssyncadd.s32 $0xFFFFE000;
	s23 =	simm.s32 @!p0 $0x1  }
0x97: {  	s24 =	sadd.s32 $0x2, s22;
	_ =	swait.ge @!p0 [sflag:s23], $0x2000  }
0x98: {  	p1 =	sge.u32 s24, s18;
	[sflag:s23] =	ssyncset.done @!p0 $0x0  }
0x99: {  	[sflag:s23] =	ssyncadd.s32 @!p0 $0xFFFFE000;
	s23 =	simm.s32 @!p1 $0x1  }
0x9a: {  	_ =	swait.ge @!p1 [sflag:s23], $0x2000  }
0x9b: {  	[sflag:s23] =	ssyncset.done @!p1 $0x0  }
0x9c: {  	[sflag:s23] =	ssyncadd.s32 @!p1 $0xFFFFE000;
	s23 =	sadd.s32 $0x3, s22  }
0x9d: {  	v8 =	vld [tilespmem:s22+$0xC80];
	s31 =	smin.u32 s23, s18  }
0x9e: {  	v9 =	vld [tilespmem:s31+$0xC80];
	_ =	sdelay $0x3  }
0x9f: {  	(v2sf) =	vpush v8, $0x0  }
0xa0: {  	(v2sf) =	vpush v9, $0x0;
	_ =	sdelay $0xd  }
0xa1: {  	s25 =	spop (v2sf)  }
0xa2: {  	s26 =	spop (v2sf)  }
0xa3: {  	p0 =	sle.s32 s26, s25  }
.Ltmp5:
0xa4: {  	_ = 	snop;
	(pc) =	sbr.rel @p0 .LBB2_12-.Ltmp5, $1  }
0xa5: {  	_ =	sdelay $0x3  }
0xa6: {  	s24 =	sshll.u32 s25, $0x2  }
0xa7: {  	s30 =	sshra.s32 s24, $0x2  }
0xa8: {  	s28 =	sadd.s32 $0x780, s30  }
0xa9: {  	v8 =	vld [tilespmem:s28+$0x0]  }
0xaa: {  	v9 =	vld [tilespmem:s30+$0x0];
	_ =	sdelay $0x3  }
0xab: {  	(v2sf) =	vpush v8, $0x0  }
0xac: {  	(v2sf) =	vpush v9, $0x0;
	_ =	sdelay $0xd  }
0xad: {  	s0 =	spop (v2sf)  }
0xae: {  	s24 =	ssub.s32 s0, s22;
	s29 =	spop (v2sf)  }
0xaf: {  	s29 =	sand.u32 $0x7F, s29;
	s24 =	sshll.u32 s24, $0xD  }
0xb0: {  	s29 =	sor.u32 s24, s29  }
0xb1: {  	v8 =	vor.u32 s29, v1;
	_ =	sdelay $0x2  }
0xb2: {  	s0 =	sadd.s32 $0x280, s30  }
0xb3: {  	v61 =	vld [tilespmem:s0+$0x0]  }
0xb4: {  	v8 =	vld.idx.msk [tilespmem:v8+s14+$0x0], $0xffff  }
0xb5: {  	v10 =	vor.u32 s29, v5  }
0xb6: {  	s24 =	sshll.u32 s25, $0x9  }
0xb7: {  	s24 =	sshra.s32 s24, $0x2  }
0xb8: {  	s24 =	sadd.s32 $0xCF00, s24  }
0xb9: {  	(v2sf) =	vpush v61, $0x0;
	[tilespmem:s24+$0x0] =	vst v8  }
0xba: {  	v8 =	vld.idx.msk [tilespmem:v10+s14+$0x0], $0xffff  }
0xbb: {  	v62 =	vor.u32 s29, v6;
	_ =	sdelay $0x3  }
0xbc: {  	[tilespmem:s24+$0x10] =	vst v8  }
0xbd: {  	v8 =	vld.idx.msk [tilespmem:v62+s14+$0x0], $0xffff  }
0xbe: {  	v63 =	vor.u32 s29, v7;
	_ =	sdelay $0x3  }
0xbf: {  	s25 =	ssub.s32 s26, s25;
	[tilespmem:s24+$0x20] =	vst v8  }
0xc0: {  	p0 =	sne.s32 s25, $0x1;
	v8 =	vld.idx.msk [tilespmem:v63+s14+$0x0], $0xffff  }
.Ltmp6:
0xc1: {  	_ = 	snop;
	(pc) =	sbr.rel @!p0 .LBB2_11-.Ltmp6, $4  }
0xc2: {  	s26 =	spop (v2sf)  }
0xc3: {  	s30 =	sadd.s32 $0x1, s30;
	s26 =	sshll.u32 s26, $0x4  }
0xc4: {  	s25 =	sadd.s32 $0xFFFFFFFF, s25;
	s29 =	sand.u32 $0x1FFFFFF0, s26;
	s26 =	sadd.s32 $0x1, s28  }
0xc5: {  	s28 =	sadd.s32 $0x80, s24;
	s31 =	sadd.s32 s4, s29;
	s29 =	sadd.s32 $0x1, s0;
	[tilespmem:s24+$0x30] =	vst v8  }
.LBB2_10:
0xc6: {  	[hbm4b:s31+s3] =	stream.linear.scatter [tilespmem:s24], [sflag:$0x3], $0x80, $0x38;
	[tilespmem:$0x1CF00] =	vst v63  }
0xc7: {  	p0 =	sne.s32 s25, $0x1;
	s25 =	sadd.s32 $0xFFFFFFFF, s25;
	s24 =	smov.u32 s28;
	v8 =	vld [tilespmem:s26+$0x0]  }
0xc8: {  	v9 =	vld [tilespmem:s30+$0x0];
	_ =	sdelay $0x3  }
0xc9: {  	(v2sf) =	vpush v8, $0x0  }
0xca: {  	(v2sf) =	vpush v9, $0x0;
	_ =	sdelay $0xd  }
0xcb: {  	s0 =	spop (v2sf)  }
0xcc: {  	s0 =	ssub.s32 s0, s22;
	s31 =	spop (v2sf)  }
0xcd: {  	s31 =	sand.u32 $0x7F, s31;
	s0 =	sshll.u32 s0, $0xD  }
0xce: {  	s0 =	sor.u32 s0, s31  }
0xcf: {  	v8 =	vor.u32 s0, v1;
	_ =	sdelay $0x4  }
0xd0: {  	v8 =	vld.idx.msk [tilespmem:v8+s14+$0x0], $0xffff;
	_ =	sdelay $0x1  }
0xd1: {  	v9 =	vor.u32 s0, v5;
	_ =	sdelay $0x1  }
0xd2: {  	v10 =	vld [tilespmem:s29+$0x0];
	_ =	sdelay $0x1  }
0xd3: {  	[tilespmem:s28+$0x0] =	vst v8  }
0xd4: {  	v8 =	vld.idx.msk [tilespmem:v9+s14+$0x0], $0xffff;
	_ =	sdelay $0x1  }
0xd5: {  	v9 =	vor.u32 s0, v6;
	(v2sf) =	vpush v10, $0x0;
	_ =	sdelay $0x3  }
0xd6: {  	[tilespmem:s28+$0x10] =	vst v8  }
0xd7: {  	v8 =	vld.idx.msk [tilespmem:v9+s14+$0x0], $0xffff;
	_ =	sdelay $0x1  }
0xd8: {  	v9 =	vor.u32 s0, v7;
	_ =	sdelay $0x3  }
0xd9: {  	[tilespmem:s28+$0x20] =	vst v8  }
0xda: {  	v8 =	vld.idx.msk [tilespmem:v9+s14+$0x0], $0xffff;
	_ =	sdelay $0x1  }
.Ltmp7:
0xdb: {  	(pc) =	sbr.rel @p0 .LBB2_10-.Ltmp7, $4  }
0xdc: {  	s0 =	spop (v2sf)  }
0xdd: {  	s0 =	sshll.u32 s0, $0x4  }
0xde: {  	s26 =	sadd.s32 $0x1, s26;
	s28 =	sadd.s32 $0x80, s28;
	s0 =	sand.u32 $0x1FFFFFF0, s0  }
0xdf: {  	s30 =	sadd.s32 $0x1, s30;
	s29 =	sadd.s32 $0x1, s29;
	[tilespmem:s24+$0x30] =	vst v8;
	s31 =	sadd.s32 s4, s0  }
.LBB2_11:
0xe0: {  	[hbm4b:s31+s3] =	stream.linear.scatter [tilespmem:s24], [sflag:$0x3], $0x80, $0x38;
	[tilespmem:$0x1CF00] =	vst v63  }
.LBB2_12:
0xe1: {  	s0 =	sadd.s32 $0x6, s22  }
0xe2: {  	p2 =	sge.u32 s0, s18  }
0xe3: {  	v8 =	vld @!p2 [tilespmem:s0+$0xA00];
	_ =	sdelay $0x4  }
0xe4: {  	(v2sf) =	vpush @!p2 v8, $0x0;
	_ =	sdelay $0x2  }
0xe5: {  	p0 =	sge.u32 @!p2 s22, s19  }
0xe6: {  	p1 =	por p0, p2  }
0xe7: {  	(v2sf) =	vpush @!p1 v8, $0x1;
	_ =	sdelay $0x1  }
0xe8: {  	s0 =	sadd.s32 @!p2 $0x8, s22  }
0xe9: {  	p0 =	sge.u32 @!p2 s0, s18  }
0xea: {  	p0 =	por p0, p2  }
0xeb: {  	(v2sf) =	vpush @!p0 v8, $0x2;
	_ =	sdelay $0x4  }
0xec: {  	s0 =	spop @!p2 (v2sf)  }
0xed: {  	s0 =	sshll.u32 @!p2 s0, $0x7  }
0xee: {  	s24 =	simm.s32 @!p2 $0x400;
	s0 =	sand.u32 @!p2 $0x1FFFFF80, s0  }
0xef: {  	s25 =	simm.s32 @!p2 $0x7A1400;
	s26 =	simm.s32 @!p2 $0xF00;
	s0 =	sadd.s32 @!p2 s1, s0  }
0xf0: {  	[tilespmem:s26], [sflag:$0x1] =	stream.strided.gather @!p2 [hbm4b:s0+s24], $0x2000, s25, s24, $0x38;
	[tilespmem:$0x1CF00] =	vst v63  }
0xf1: {  	s0 =	spop @!p1 (v2sf)  }
0xf2: {  	s0 =	sshll.u32 @!p1 s0, $0x7  }
0xf3: {  	s24 =	simm.s32 @!p1 $0x400;
	s0 =	sand.u32 @!p1 $0x1FFFFF80, s0  }
0xf4: {  	s25 =	simm.s32 @!p1 $0x7A1400;
	s26 =	simm.s32 @!p1 $0x2F00;
	s0 =	sadd.s32 @!p1 s1, s0  }
0xf5: {  	[tilespmem:s26], [sflag:$0x1] =	stream.strided.gather @!p1 [hbm4b:s0+s24], $0x2000, s25, s24, $0x38;
	[tilespmem:$0x1CF00] =	vst v63  }
.Ltmp8:
0xf6: {  	s0 =	spop @!p0 (v2sf);
	(pc) =	sbr.rel .LBB2_13-.Ltmp8, $4  }
0xf7: {  	s0 =	sshll.u32 @!p0 s0, $0x7  }
0xf8: {  	s24 =	simm.s32 @!p0 $0x400;
	s0 =	sand.u32 @!p0 $0x1FFFFF80, s0  }
0xf9: {  	s25 =	simm.s32 @!p0 $0x7A1400;
	s26 =	simm.s32 @!p0 $0x4F00;
	s0 =	sadd.s32 @!p0 s1, s0  }
0xfa: {  	[tilespmem:s26], [sflag:$0x1] =	stream.strided.gather @!p0 [hbm4b:s0+s24], $0x2000, s25, s24, $0x38;
	[tilespmem:$0x1CF00] =	vst v63  }
.LBB2_7:
0xfb: {  	s23 =	sadd.s32 $0x3, s22  }
.LBB2_13:
0xfc: {  	p0 =	sge.s32 s23, s18  }
.Ltmp9:
0xfd: {  	_ = 	snop;
	(pc) =	sbr.rel @p0 .LBB2_19-.Ltmp9, $1  }
0xfe: {  	_ =	sdelay $0x3  }
0xff: {  	_ =	swait.ge [sflag:s15], $0x2000;
	s0 =	sadd.s32 $0x4, s22  }
0x100: {  	[sflag:s15] =	ssyncset.done $0x0;
	p0 =	sge.u32 s0, s18  }
0x101: {  	[sflag:s15] =	ssyncadd.s32 $0xFFFFE000;
	s0 =	simm.s32 @!p0 $0x2  }
0x102: {  	s24 =	sadd.s32 $0x5, s22;
	_ =	swait.ge @!p0 [sflag:s0], $0x2000  }
0x103: {  	p1 =	sge.u32 s24, s18;
	[sflag:s0] =	ssyncset.done @!p0 $0x0  }
0x104: {  	[sflag:s0] =	ssyncadd.s32 @!p0 $0xFFFFE000;
	s0 =	simm.s32 @!p1 $0x2  }
0x105: {  	_ =	swait.ge @!p1 [sflag:s0], $0x2000  }
0x106: {  	[sflag:s0] =	ssyncset.done @!p1 $0x0  }
0x107: {  	s31 =	sadd.s32 $0x6, s22;
	[sflag:s0] =	ssyncadd.s32 @!p1 $0xFFFFE000  }
0x108: {  	s0 =	smin.u32 s31, s18;
	v8 =	vld [tilespmem:s23+$0xC80]  }
0x109: {  	v9 =	vld [tilespmem:s0+$0xC80];
	_ =	sdelay $0x3  }
0x10a: {  	(v2sf) =	vpush v8, $0x0  }
0x10b: {  	(v2sf) =	vpush v9, $0x0;
	_ =	sdelay $0xd  }
0x10c: {  	s25 =	spop (v2sf)  }
0x10d: {  	s26 =	spop (v2sf)  }
0x10e: {  	p0 =	sle.s32 s26, s25  }
.Ltmp10:
0x10f: {  	_ = 	snop;
	(pc) =	sbr.rel @p0 .LBB2_18-.Ltmp10, $1  }
0x110: {  	_ =	sdelay $0x3  }
0x111: {  	s0 =	sshll.u32 s25, $0x2  }
0x112: {  	s0 =	sshra.s32 s0, $0x2  }
0x113: {  	s28 =	sadd.s32 $0x780, s0  }
0x114: {  	v8 =	vld [tilespmem:s28+$0x0];
	_ =	sdelay $0x1  }
0x115: {  	v9 =	vld [tilespmem:s0+$0x0];
	_ =	sdelay $0x2  }
0x116: {  	(v2sf) =	vpush v8, $0x0;
	_ =	sdelay $0x1  }
0x117: {  	(v2sf) =	vpush v9, $0x0;
	_ =	sdelay $0xc  }
0x118: {  	s24 =	spop (v2sf)  }
0x119: {  	s24 =	ssub.s32 s24, s23  }
0x11a: {  	s29 =	spop (v2sf);
	s24 =	sshll.u32 s24, $0xD  }
0x11b: {  	s29 =	sand.u32 $0x7F, s29;
	v8 =	vmov s24  }
0x11c: {  	v8 =	vor.u32 s29, v8  }
0x11d: {  	v8 =	vadd.s32 $0x6000, v8  }
0x11e: {  	v8 =	vbroadcast v8, $0x0;
	_ =	sdelay $0x1  }
0x11f: {  	v62 =	vor.u32 v1, v8;
	_ =	sdelay $0x2  }
0x120: {  	s29 =	sadd.s32 $0x280, s0  }
0x121: {  	v10 =	vld [tilespmem:s29+$0x0]  }
0x122: {  	v9 =	vld.idx.msk [tilespmem:v62+s14+$0x0], $0xffff  }
0x123: {  	v11 =	vor.u32 v5, v8  }
0x124: {  	s24 =	sshll.u32 s25, $0x9  }
0x125: {  	s24 =	sshra.s32 s24, $0x2  }
0x126: {  	s24 =	sadd.s32 $0xCF00, s24  }
0x127: {  	(v2sf) =	vpush v10, $0x0;
	[tilespmem:s24+$0x0] =	vst v9  }
0x128: {  	v9 =	vld.idx.msk [tilespmem:v11+s14+$0x0], $0xffff  }
0x129: {  	v63 =	vor.u32 v6, v8;
	_ =	sdelay $0x3  }
0x12a: {  	[tilespmem:s24+$0x10] =	vst v9  }
0x12b: {  	v9 =	vld.idx.msk [tilespmem:v63+s14+$0x0], $0xffff  }
0x12c: {  	v8 =	vor.u32 v7, v8;
	_ =	sdelay $0x3  }
0x12d: {  	s25 =	ssub.s32 s26, s25;
	[tilespmem:s24+$0x20] =	vst v9  }
0x12e: {  	p0 =	sne.s32 s25, $0x1;
	v8 =	vld.idx.msk [tilespmem:v8+s14+$0x0], $0xffff  }
.Ltmp11:
0x12f: {  	_ = 	snop;
	(pc) =	sbr.rel @!p0 .LBB2_17-.Ltmp11, $4  }
0x130: {  	s26 =	spop (v2sf)  }
0x131: {  	s25 =	sadd.s32 $0xFFFFFFFF, s25;
	s26 =	sshll.u32 s26, $0x4  }
0x132: {  	s29 =	sadd.s32 $0x1, s29;
	s30 =	sand.u32 $0x1FFFFFF0, s26;
	s26 =	sadd.s32 $0x1, s28  }
0x133: {  	s28 =	sadd.s32 $0x80, s24;
	s31 =	sadd.s32 s4, s30;
	s30 =	sadd.s32 $0x1, s0;
	[tilespmem:s24+$0x30] =	vst v8  }
.LBB2_16:
0x134: {  	[hbm4b:s31+s3] =	stream.linear.scatter [tilespmem:s24], [sflag:$0x3], $0x80, $0x38;
	[tilespmem:$0x1CF00] =	vst v63  }
0x135: {  	p0 =	sne.s32 s25, $0x1;
	s25 =	sadd.s32 $0xFFFFFFFF, s25;
	s24 =	smov.u32 s28;
	v8 =	vld [tilespmem:s26+$0x0]  }
0x136: {  	_ = 	snop  }
0x137: {  	v9 =	vld [tilespmem:s30+$0x0];
	_ =	sdelay $0x2  }
0x138: {  	(v2sf) =	vpush v8, $0x0;
	_ =	sdelay $0x1  }
0x139: {  	(v2sf) =	vpush v9, $0x0;
	_ =	sdelay $0xc  }
0x13a: {  	s0 =	spop (v2sf)  }
0x13b: {  	s0 =	ssub.s32 s0, s23  }
0x13c: {  	s0 =	sshll.u32 s0, $0xD;
	s31 =	spop (v2sf)  }
0x13d: {  	s31 =	sand.u32 $0x7F, s31;
	v8 =	vmov s0  }
0x13e: {  	v8 =	vor.u32 s31, v8  }
0x13f: {  	v8 =	vadd.s32 $0x6000, v8  }
0x140: {  	v8 =	vbroadcast v8, $0x0;
	_ =	sdelay $0x1  }
0x141: {  	v9 =	vor.u32 v1, v8;
	_ =	sdelay $0x4  }
0x142: {  	v9 =	vld.idx.msk [tilespmem:v9+s14+$0x0], $0xffff;
	_ =	sdelay $0x1  }
0x143: {  	v10 =	vor.u32 v5, v8;
	_ =	sdelay $0x1  }
0x144: {  	v11 =	vld [tilespmem:s29+$0x0];
	_ =	sdelay $0x1  }
0x145: {  	[tilespmem:s28+$0x0] =	vst v9  }
0x146: {  	v9 =	vld.idx.msk [tilespmem:v10+s14+$0x0], $0xffff;
	_ =	sdelay $0x1  }
0x147: {  	v10 =	vor.u32 v6, v8;
	(v2sf) =	vpush v11, $0x0;
	_ =	sdelay $0x3  }
0x148: {  	[tilespmem:s28+$0x10] =	vst v9  }
0x149: {  	v9 =	vld.idx.msk [tilespmem:v10+s14+$0x0], $0xffff;
	_ =	sdelay $0x1  }
0x14a: {  	v8 =	vor.u32 v7, v8;
	_ =	sdelay $0x3  }
0x14b: {  	[tilespmem:s28+$0x20] =	vst v9  }
0x14c: {  	v8 =	vld.idx.msk [tilespmem:v8+s14+$0x0], $0xffff;
	_ =	sdelay $0x1  }
.Ltmp12:
0x14d: {  	(pc) =	sbr.rel @p0 .LBB2_16-.Ltmp12, $4  }
0x14e: {  	s0 =	spop (v2sf)  }
0x14f: {  	s0 =	sshll.u32 s0, $0x4  }
0x150: {  	s26 =	sadd.s32 $0x1, s26;
	s28 =	sadd.s32 $0x80, s28;
	s0 =	sand.u32 $0x1FFFFFF0, s0  }
0x151: {  	s30 =	sadd.s32 $0x1, s30;
	s29 =	sadd.s32 $0x1, s29;
	[tilespmem:s24+$0x30] =	vst v8;
	s31 =	sadd.s32 s4, s0  }
.Ltmp13:
0x152: {  	_ = 	snop;
	(pc) =	sbr.rel .LBB2_17-.Ltmp13, $1  }
0x153: {  	_ =	sdelay $0x3  }
.LBB2_20:
0x154: {  	_ =	swait.ge [sflag:s16], $0x80  }
0x155: {  	s18 =	simm.s32 $0x1FF;
	[sflag:s16] =	ssyncset.done $0x0  }
.LBB2_21:
0x156: {  	p0 =	sne.s32 s18, $0x1;
	s18 =	sadd.s32 $0xFFFFFFFF, s18;
	[sflag:s16] =	ssyncadd.s32 $0xFFFFFF80  }
.Ltmp14:
0x157: {  	(pc) =	sbr.rel @p0 .LBB2_21-.Ltmp14, $3  }
0x158: {  	_ =	sdelay $0x1  }
0x159: {  	_ =	swait.ge [sflag:s16], $0x80  }
0x15a: {  	[sflag:s16] =	ssyncset.done $0x0  }
0x15b: {  	s17 =	sadd.s32 $0x1, s17  }
0x15c: {  	p0 =	sne.s32 s17, s7  }
.Ltmp15:
0x15d: {  	_ = 	snop;
	(pc) =	sbr.rel @p0 .LBB2_1-.Ltmp15, $2  }
0x15e: {  	_ =	sdelay $0x2  }
0x15f: {  	[sflag:s16] =	ssyncadd.s32 $0xFFFFFF80  }
0x160: {  	_ =	sfence.sel $0x180000  }
0x161: {  	[bflag:$0x0] =	sbarrier.arrive $0xFFFF  }
0x162: {  	_ =	strace $0x90000047  }
0x163: {  	[bflag:$0x2] =	sbarrier.arrive $0xFFFF  }
0x164: {  	p0 =	sne.s32 s2, $0x0;
	s0 =	rddreg [dreg:$0x3]  }
0x165: {  	s0 =	sadd.s32 @!p0 $0x100000, s0  }
0x166: {  	[sflag:s0] =	ssyncadd.tile.s32 @!p0 $0x1;
	_ =	shalt  }
.Lfunc_end2:
_tile_overlayer_lowered:
.L_overlay_start_2:
0x167: {  	(tag) =	ssettag $0x2  }
0x168: {  	s0 =	rddreg [dreg:$0x0];
	s2 =	stileid.u32  }
0x169: {  	s1 =	rddreg [dreg:$0x1];
	p0 =	sne.s32 s2, $0x0  }
0x16a: {  	s3 =	rddreg [dreg:$0x2];
	[bflag:$0x3] =	sbarrier.arrive $0xFFFF;
	s2 =	simm.s32 @!p0 $0x1C04  }
0x16b: {  	[timem:s3], [sflag:s2] =	dma.local @!p0 [hbm:s0], s1  }
0x16c: {  	s0 =	simm.s32 @!p0 $0x4  }
0x16d: {  	_ =	swait.ge @!p0 [sflag:s0], s1  }
0x16e: {  	s1 =	ssub.s32 @!p0 $0x0, s1;
	[sflag:s0] =	ssyncset.done @!p0 $0x0  }
0x16f: {  	[sflag:s0] =	ssyncadd.s32 @!p0 s1  }
0x170: {  	[bflag:$0x3] =	sbarrier.arrive $0xFFFF  }
0x171: {  	_ =	shalt  }

</sc_bundles>
